<compile_context>
chip_gen: v7x
topology: tpu7x:2x2x1
jax: 0.10.2.dev20260603
libtpu: 0.0.44.dev20260713+nightly
codegen_flags: <defaults>
</compile_context>

<pallas_src>
import jax
import jax.numpy as jnp
from jax import lax
from jax.experimental import pallas as pl
from jax.experimental.pallas import tpu as pltpu
from jax.experimental.pallas import tpu_sc as plsc

NC = 2
NS = 16
NW = NC * NS

BATCH = 4
SEQ = 2048
HIDDEN = 2048
N = BATCH * SEQ
B_PER_W = N // NW
G = 8
NG = B_PER_W // G


def _sc_lookup(indices2, table):
    mesh = plsc.VectorSubcoreMesh(core_axis_name="c", subcore_axis_name="s")

    def body(idx_hbm, table_hbm, out_hbm, idx_v, table_v, tsem, ssem0, ssem1):
        wid = lax.axis_index("s") * NC + lax.axis_index("c")
        base = wid * B_PER_W
        pltpu.sync_copy(idx_hbm.at[wid], idx_v)
        pltpu.async_copy(table_hbm, table_v, tsem).wait()

        ssems = (ssem0, ssem1)

        def fire(g, off, sem):
            ivec = idx_v[0, pl.ds(g * G - off, 16)]
            for k in range(G):
                pltpu.async_copy(
                    table_v.at[pl.ds(ivec[off + k], 1)],
                    out_hbm.at[pl.ds(base + g * G + k, 1)],
                    sem)

        def drain(g, sem):
            blk = out_hbm.at[pl.ds(base + g * G, G)]
            pltpu.make_async_copy(blk, blk, sem).wait()

        fire(0, 0, ssems[0])
        fire(1, 8, ssems[1])

        def loop_body(gg, carry):
            g0 = 2 * gg
            drain(g0 - 2, ssems[0])
            fire(g0, 0, ssems[0])
            drain(g0 - 1, ssems[1])
            fire(g0 + 1, 8, ssems[1])
            return carry

        lax.fori_loop(1, NG // 2, loop_body, 0)
        drain(NG - 2, ssems[0])
        drain(NG - 1, ssems[1])

    run = pl.kernel(
        body,
        out_type=jax.ShapeDtypeStruct((N, HIDDEN), jnp.float32),
        mesh=mesh,
        scratch_types=[
            pltpu.VMEM((1, B_PER_W), jnp.int32),
            pltpu.VMEM((10, HIDDEN), jnp.float32),
            pltpu.SemaphoreType.DMA,
            pltpu.SemaphoreType.DMA,
            pltpu.SemaphoreType.DMA,
        ],
    )
    return run(indices2, table)


def kernel(indices, table):
    idx2 = indices.astype(jnp.int32).reshape(NW, 1, B_PER_W)
    out = _sc_lookup(idx2, table)
    return out.reshape(BATCH, SEQ, HIDDEN)

# --- scband reference (transcript-rebuilt; emitter-appended) ---
"""Pipeline reference for scband-dummy-model-38122129719638 (READ-ONLY COPY).

The authoritative reference and input builder live on the scoring server;
editing this copy changes nothing except your own understanding.
"""

import jax, jax.numpy as jnp
import numpy as np

VOCAB = 10
HIDDEN = 2048
BATCH = 4
SEQ = 2048

def setup_inputs(seed: int = 0) -> dict:
    key = jax.random.key(seed)
    k_idx, k_tab = jax.random.split(key)
    indices = jax.random.randint(k_idx, (BATCH, SEQ), 0, VOCAB, dtype=jnp.int64 if jax.config.jax_enable_x64 else jnp.int32)
    table = jax.random.normal(k_tab, (VOCAB, HIDDEN), dtype=jnp.float32)
    return {"indices": indices, "table": table}

def reference(indices, table):
    # Faithful translation of DummyModel: self.word_embeddings(indices)
    # (the module defines no forward; the only runnable computation is the
    #  word_embeddings lookup; tuning_mode is None so init_prompts is a no-op)
    return jnp.take(table, indices, axis=0)

if __name__ == "__main__":
    import jax
    _d = setup_inputs()
    print(jax.jit(kernel)(*tuple(_d.values())))

</pallas_src>

<mosaic_0001>
#map = affine_map<(d0, d1) -> (0, 0, 0)>
#map1 = affine_map<(d0, d1) -> (0, 0)>
module attributes {stable_mosaic.version = 14 : i64} {
  func.func @body(%arg0: i32, %arg1: i32, %arg2: memref<32x1x256xi32, #tpu.memory_space<hbm>>, %arg3: memref<10x2048xf32, #tpu.memory_space<hbm>>, %arg4: memref<8192x2048xf32, #tpu.memory_space<hbm>>, %arg5: memref<1x256xi32, #tpu.memory_space<vmem>>, %arg6: memref<10x2048xf32, #tpu.memory_space<vmem>>, %arg7: memref<!tpu.dma_semaphore, #tpu.memory_space<semaphore_mem>>, %arg8: memref<!tpu.dma_semaphore, #tpu.memory_space<semaphore_mem>>, %arg9: memref<!tpu.dma_semaphore, #tpu.memory_space<semaphore_mem>>) attributes {dimension_semantics = [#tpu.dimension_semantics<core_parallel>, #tpu.dimension_semantics<subcore_parallel>], iteration_bounds = array<i64: 2, 16>, scalar_prefetch = 0 : i64, scratch_operands = 5 : i64, tpu.core_type = #tpu.core_type<sc_vector_subcore>, window_params = [{transform_indices = #map}, {transform_indices = #map1}, {transform_indices = #map1}]} {
    %mul3A = arith.constant 2 : i32
    %mul3A_0 = arith.muli %arg1, %mul3A : i32
    %add3A = arith.addi %mul3A_0, %arg0 : i32
    %mul3A_1 = arith.constant 256 : i32
    %mul3A_2 = arith.muli %add3A, %mul3A_1 : i32
    "tpu.region"() ({
      %run_scoped3A = tpu.sem_alloc : memref<!tpu.dma_semaphore, #tpu.memory_space<semaphore_mem>>
      %dma_start3A_249 = arith.constant 0 : i32
      %dma_start3A_250 = arith.constant 0 : i32
      %dma_start3A_251 = tpu.memref_slice %arg2[%add3A, %dma_start3A_249, %dma_start3A_250] : memref<32x1x256xi32, #tpu.memory_space<hbm>> -> memref<1x1x256xi32, #tpu.memory_space<hbm>>
      %dma_start3A_252 = tpu.memref_squeeze %dma_start3A_251 : memref<1x1x256xi32, #tpu.memory_space<hbm>> -> memref<1x256xi32, #tpu.memory_space<hbm>>
      %dma_start3A_253 = arith.constant 0 : i32
      %dma_start3A_254 = arith.constant 0 : i32
      %dma_start3A_255 = tpu.memref_slice %arg2[%add3A, %dma_start3A_253, %dma_start3A_254] : memref<32x1x256xi32, #tpu.memory_space<hbm>> -> memref<1x1x256xi32, #tpu.memory_space<hbm>>
      %dma_start3A_256 = tpu.memref_squeeze %dma_start3A_255 : memref<1x1x256xi32, #tpu.memory_space<hbm>> -> memref<1x256xi32, #tpu.memory_space<hbm>>
      tpu.enqueue_dma source(%dma_start3A_256 : memref<1x256xi32, #tpu.memory_space<hbm>>) target(%arg5 : memref<1x256xi32, #tpu.memory_space<vmem>>) target_semaphore(%run_scoped3A : memref<!tpu.dma_semaphore, #tpu.memory_space<semaphore_mem>>)
      %dma_wait3A_257 = arith.constant 0 : i32
      %dma_wait3A_258 = arith.constant 0 : i32
      %dma_wait3A_259 = tpu.memref_slice %arg2[%add3A, %dma_wait3A_257, %dma_wait3A_258] : memref<32x1x256xi32, #tpu.memory_space<hbm>> -> memref<1x1x256xi32, #tpu.memory_space<hbm>>
      %dma_wait3A_260 = tpu.memref_squeeze %dma_wait3A_259 : memref<1x1x256xi32, #tpu.memory_space<hbm>> -> memref<1x256xi32, #tpu.memory_space<hbm>>
      %dma_wait3A_261 = arith.constant 0 : i32
      %dma_wait3A_262 = arith.constant 0 : i32
      %dma_wait3A_263 = tpu.memref_slice %arg2[%add3A, %dma_wait3A_261, %dma_wait3A_262] : memref<32x1x256xi32, #tpu.memory_space<hbm>> -> memref<1x1x256xi32, #tpu.memory_space<hbm>>
      %dma_wait3A_264 = tpu.memref_squeeze %dma_wait3A_263 : memref<1x1x256xi32, #tpu.memory_space<hbm>> -> memref<1x256xi32, #tpu.memory_space<hbm>>
      tpu.wait_dma2 semaphore(%run_scoped3A : memref<!tpu.dma_semaphore, #tpu.memory_space<semaphore_mem>>) src(%dma_wait3A_264 : memref<1x256xi32, #tpu.memory_space<hbm>>) dst(%arg5 : memref<1x256xi32, #tpu.memory_space<vmem>>)
      tpu.yield
    }) : () -> ()
    tpu.enqueue_dma source(%arg3 : memref<10x2048xf32, #tpu.memory_space<hbm>>) target(%arg6 : memref<10x2048xf32, #tpu.memory_space<vmem>>) target_semaphore(%arg7 : memref<!tpu.dma_semaphore, #tpu.memory_space<semaphore_mem>>)
    tpu.wait_dma2 semaphore(%arg7 : memref<!tpu.dma_semaphore, #tpu.memory_space<semaphore_mem>>) src(%arg3 : memref<10x2048xf32, #tpu.memory_space<hbm>>) dst(%arg6 : memref<10x2048xf32, #tpu.memory_space<vmem>>)
    %get3A = arith.constant 0 : i32
    %get3A_3 = arith.index_cast %get3A : i32 to index
    %get3A_4 = arith.constant 0 : index
    %get3A_5 = tpu.vector_load %arg5[%get3A_3, %get3A_4] {strides = array<i32>} : memref<1x256xi32, #tpu.memory_space<vmem>>, vector<1x16xi32>,
    %get3A_6 = vector.shape_cast %get3A_5 : vector<1x16xi32> to vector<16xi32>
    %slice3A = vector.extract_strided_slice %get3A_6 {offsets = [0], sizes = [1], strides = [1]} : vector<16xi32> to vector<1xi32>
    %squeeze3A = vector.extract %slice3A[0] : i32 from vector<1xi32>
    %add3A_7 = arith.constant 0 : i32
    %add3A_8 = arith.addi %mul3A_2, %add3A_7 : i32
    %add3A_9 = arith.constant 0 : i32
    %add3A_10 = arith.addi %add3A_8, %add3A_9 : i32
    %dma_start3A = arith.constant 0 : i32
    %dma_start3A_11 = tpu.memref_slice %arg6[%squeeze3A, %dma_start3A] : memref<10x2048xf32, #tpu.memory_space<vmem>> -> memref<1x2048xf32, #tpu.memory_space<vmem>>
    %dma_start3A_12 = arith.constant 0 : i32
    %dma_start3A_13 = tpu.memref_slice %arg4[%add3A_10, %dma_start3A_12] : memref<8192x2048xf32, #tpu.memory_space<hbm>> -> memref<1x2048xf32, #tpu.memory_space<hbm>>
    %dma_start3A_14 = arith.constant 0 : i32
    %dma_start3A_15 = tpu.memref_slice %arg4[%add3A_10, %dma_start3A_14] : memref<8192x2048xf32, #tpu.memory_space<hbm>> -> memref<1x2048xf32, #tpu.memory_space<hbm>>
    %dma_start3A_16 = arith.constant 0 : i32
    %dma_start3A_17 = tpu.memref_slice %arg6[%squeeze3A, %dma_start3A_16] : memref<10x2048xf32, #tpu.memory_space<vmem>> -> memref<1x2048xf32, #tpu.memory_space<vmem>>
    tpu.enqueue_dma source(%dma_start3A_17 : memref<1x2048xf32, #tpu.memory_space<vmem>>) target(%dma_start3A_15 : memref<1x2048xf32, #tpu.memory_space<hbm>>) target_semaphore(%arg8 : memref<!tpu.dma_semaphore, #tpu.memory_space<semaphore_mem>>)
    %slice3A_18 = vector.extract_strided_slice %get3A_6 {offsets = [1], sizes = [1], strides = [1]} : vector<16xi32> to vector<1xi32>
    %squeeze3A_19 = vector.extract %slice3A_18[0] : i32 from vector<1xi32>
    %add3A_20 = arith.constant 0 : i32
    %add3A_21 = arith.addi %mul3A_2, %add3A_20 : i32
    %add3A_22 = arith.constant 1 : i32
    %add3A_23 = arith.addi %add3A_21, %add3A_22 : i32
    %dma_start3A_24 = arith.constant 0 : i32
    %dma_start3A_25 = tpu.memref_slice %arg6[%squeeze3A_19, %dma_start3A_24] : memref<10x2048xf32, #tpu.memory_space<vmem>> -> memref<1x2048xf32, #tpu.memory_space<vmem>>
    %dma_start3A_26 = arith.constant 0 : i32
    %dma_start3A_27 = tpu.memref_slice %arg4[%add3A_23, %dma_start3A_26] : memref<8192x2048xf32, #tpu.memory_space<hbm>> -> memref<1x2048xf32, #tpu.memory_space<hbm>>
    %dma_start3A_28 = arith.constant 0 : i32
    %dma_start3A_29 = tpu.memref_slice %arg4[%add3A_23, %dma_start3A_28] : memref<8192x2048xf32, #tpu.memory_space<hbm>> -> memref<1x2048xf32, #tpu.memory_space<hbm>>
    %dma_start3A_30 = arith.constant 0 : i32
    %dma_start3A_31 = tpu.memref_slice %arg6[%squeeze3A_19, %dma_start3A_30] : memref<10x2048xf32, #tpu.memory_space<vmem>> -> memref<1x2048xf32, #tpu.memory_space<vmem>>
    tpu.enqueue_dma source(%dma_start3A_31 : memref<1x2048xf32, #tpu.memory_space<vmem>>) target(%dma_start3A_29 : memref<1x2048xf32, #tpu.memory_space<hbm>>) target_semaphore(%arg8 : memref<!tpu.dma_semaphore, #tpu.memory_space<semaphore_mem>>)
    %slice3A_32 = vector.extract_strided_slice %get3A_6 {offsets = [2], sizes = [1], strides = [1]} : vector<16xi32> to vector<1xi32>
    %squeeze3A_33 = vector.extract %slice3A_32[0] : i32 from vector<1xi32>
    %add3A_34 = arith.constant 0 : i32
    %add3A_35 = arith.addi %mul3A_2, %add3A_34 : i32
    %add3A_36 = arith.constant 2 : i32
    %add3A_37 = arith.addi %add3A_35, %add3A_36 : i32
    %dma_start3A_38 = arith.constant 0 : i32
    %dma_start3A_39 = tpu.memref_slice %arg6[%squeeze3A_33, %dma_start3A_38] : memref<10x2048xf32, #tpu.memory_space<vmem>> -> memref<1x2048xf32, #tpu.memory_space<vmem>>
    %dma_start3A_40 = arith.constant 0 : i32
    %dma_start3A_41 = tpu.memref_slice %arg4[%add3A_37, %dma_start3A_40] : memref<8192x2048xf32, #tpu.memory_space<hbm>> -> memref<1x2048xf32, #tpu.memory_space<hbm>>
    %dma_start3A_42 = arith.constant 0 : i32
    %dma_start3A_43 = tpu.memref_slice %arg4[%add3A_37, %dma_start3A_42] : memref<8192x2048xf32, #tpu.memory_space<hbm>> -> memref<1x2048xf32, #tpu.memory_space<hbm>>
    %dma_start3A_44 = arith.constant 0 : i32
    %dma_start3A_45 = tpu.memref_slice %arg6[%squeeze3A_33, %dma_start3A_44] : memref<10x2048xf32, #tpu.memory_space<vmem>> -> memref<1x2048xf32, #tpu.memory_space<vmem>>
    tpu.enqueue_dma source(%dma_start3A_45 : memref<1x2048xf32, #tpu.memory_space<vmem>>) target(%dma_start3A_43 : memref<1x2048xf32, #tpu.memory_space<hbm>>) target_semaphore(%arg8 : memref<!tpu.dma_semaphore, #tpu.memory_space<semaphore_mem>>)
    %slice3A_46 = vector.extract_strided_slice %get3A_6 {offsets = [3], sizes = [1], strides = [1]} : vector<16xi32> to vector<1xi32>
    %squeeze3A_47 = vector.extract %slice3A_46[0] : i32 from vector<1xi32>
    %add3A_48 = arith.constant 0 : i32
    %add3A_49 = arith.addi %mul3A_2, %add3A_48 : i32
    %add3A_50 = arith.constant 3 : i32
    %add3A_51 = arith.addi %add3A_49, %add3A_50 : i32
    %dma_start3A_52 = arith.constant 0 : i32
    %dma_start3A_53 = tpu.memref_slice %arg6[%squeeze3A_47, %dma_start3A_52] : memref<10x2048xf32, #tpu.memory_space<vmem>> -> memref<1x2048xf32, #tpu.memory_space<vmem>>
    %dma_start3A_54 = arith.constant 0 : i32
    %dma_start3A_55 = tpu.memref_slice %arg4[%add3A_51, %dma_start3A_54] : memref<8192x2048xf32, #tpu.memory_space<hbm>> -> memref<1x2048xf32, #tpu.memory_space<hbm>>
    %dma_start3A_56 = arith.constant 0 : i32
    %dma_start3A_57 = tpu.memref_slice %arg4[%add3A_51, %dma_start3A_56] : memref<8192x2048xf32, #tpu.memory_space<hbm>> -> memref<1x2048xf32, #tpu.memory_space<hbm>>
    %dma_start3A_58 = arith.constant 0 : i32
    %dma_start3A_59 = tpu.memref_slice %arg6[%squeeze3A_47, %dma_start3A_58] : memref<10x2048xf32, #tpu.memory_space<vmem>> -> memref<1x2048xf32, #tpu.memory_space<vmem>>
    tpu.enqueue_dma source(%dma_start3A_59 : memref<1x2048xf32, #tpu.memory_space<vmem>>) target(%dma_start3A_57 : memref<1x2048xf32, #tpu.memory_space<hbm>>) target_semaphore(%arg8 : memref<!tpu.dma_semaphore, #tpu.memory_space<semaphore_mem>>)
    %slice3A_60 = vector.extract_strided_slice %get3A_6 {offsets = [4], sizes = [1], strides = [1]} : vector<16xi32> to vector<1xi32>
    %squeeze3A_61 = vector.extract %slice3A_60[0] : i32 from vector<1xi32>
    %add3A_62 = arith.constant 0 : i32
    %add3A_63 = arith.addi %mul3A_2, %add3A_62 : i32
    %add3A_64 = arith.constant 4 : i32
    %add3A_65 = arith.addi %add3A_63, %add3A_64 : i32
    %dma_start3A_66 = arith.constant 0 : i32
    %dma_start3A_67 = tpu.memref_slice %arg6[%squeeze3A_61, %dma_start3A_66] : memref<10x2048xf32, #tpu.memory_space<vmem>> -> memref<1x2048xf32, #tpu.memory_space<vmem>>
    %dma_start3A_68 = arith.constant 0 : i32
    %dma_start3A_69 = tpu.memref_slice %arg4[%add3A_65, %dma_start3A_68] : memref<8192x2048xf32, #tpu.memory_space<hbm>> -> memref<1x2048xf32, #tpu.memory_space<hbm>>
    %dma_start3A_70 = arith.constant 0 : i32
    %dma_start3A_71 = tpu.memref_slice %arg4[%add3A_65, %dma_start3A_70] : memref<8192x2048xf32, #tpu.memory_space<hbm>> -> memref<1x2048xf32, #tpu.memory_space<hbm>>
    %dma_start3A_72 = arith.constant 0 : i32
    %dma_start3A_73 = tpu.memref_slice %arg6[%squeeze3A_61, %dma_start3A_72] : memref<10x2048xf32, #tpu.memory_space<vmem>> -> memref<1x2048xf32, #tpu.memory_space<vmem>>
    tpu.enqueue_dma source(%dma_start3A_73 : memref<1x2048xf32, #tpu.memory_space<vmem>>) target(%dma_start3A_71 : memref<1x2048xf32, #tpu.memory_space<hbm>>) target_semaphore(%arg8 : memref<!tpu.dma_semaphore, #tpu.memory_space<semaphore_mem>>)
    %slice3A_74 = vector.extract_strided_slice %get3A_6 {offsets = [5], sizes = [1], strides = [1]} : vector<16xi32> to vector<1xi32>
    %squeeze3A_75 = vector.extract %slice3A_74[0] : i32 from vector<1xi32>
    %add3A_76 = arith.constant 0 : i32
    %add3A_77 = arith.addi %mul3A_2, %add3A_76 : i32
    %add3A_78 = arith.constant 5 : i32
    %add3A_79 = arith.addi %add3A_77, %add3A_78 : i32
    %dma_start3A_80 = arith.constant 0 : i32
    %dma_start3A_81 = tpu.memref_slice %arg6[%squeeze3A_75, %dma_start3A_80] : memref<10x2048xf32, #tpu.memory_space<vmem>> -> memref<1x2048xf32, #tpu.memory_space<vmem>>
    %dma_start3A_82 = arith.constant 0 : i32
    %dma_start3A_83 = tpu.memref_slice %arg4[%add3A_79, %dma_start3A_82] : memref<8192x2048xf32, #tpu.memory_space<hbm>> -> memref<1x2048xf32, #tpu.memory_space<hbm>>
    %dma_start3A_84 = arith.constant 0 : i32
    %dma_start3A_85 = tpu.memref_slice %arg4[%add3A_79, %dma_start3A_84] : memref<8192x2048xf32, #tpu.memory_space<hbm>> -> memref<1x2048xf32, #tpu.memory_space<hbm>>
    %dma_start3A_86 = arith.constant 0 : i32
    %dma_start3A_87 = tpu.memref_slice %arg6[%squeeze3A_75, %dma_start3A_86] : memref<10x2048xf32, #tpu.memory_space<vmem>> -> memref<1x2048xf32, #tpu.memory_space<vmem>>
    tpu.enqueue_dma source(%dma_start3A_87 : memref<1x2048xf32, #tpu.memory_space<vmem>>) target(%dma_start3A_85 : memref<1x2048xf32, #tpu.memory_space<hbm>>) target_semaphore(%arg8 : memref<!tpu.dma_semaphore, #tpu.memory_space<semaphore_mem>>)
    %slice3A_88 = vector.extract_strided_slice %get3A_6 {offsets = [6], sizes = [1], strides = [1]} : vector<16xi32> to vector<1xi32>
    %squeeze3A_89 = vector.extract %slice3A_88[0] : i32 from vector<1xi32>
    %add3A_90 = arith.constant 0 : i32
    %add3A_91 = arith.addi %mul3A_2, %add3A_90 : i32
    %add3A_92 = arith.constant 6 : i32
    %add3A_93 = arith.addi %add3A_91, %add3A_92 : i32
    %dma_start3A_94 = arith.constant 0 : i32
    %dma_start3A_95 = tpu.memref_slice %arg6[%squeeze3A_89, %dma_start3A_94] : memref<10x2048xf32, #tpu.memory_space<vmem>> -> memref<1x2048xf32, #tpu.memory_space<vmem>>
    %dma_start3A_96 = arith.constant 0 : i32
    %dma_start3A_97 = tpu.memref_slice %arg4[%add3A_93, %dma_start3A_96] : memref<8192x2048xf32, #tpu.memory_space<hbm>> -> memref<1x2048xf32, #tpu.memory_space<hbm>>
    %dma_start3A_98 = arith.constant 0 : i32
    %dma_start3A_99 = tpu.memref_slice %arg4[%add3A_93, %dma_start3A_98] : memref<8192x2048xf32, #tpu.memory_space<hbm>> -> memref<1x2048xf32, #tpu.memory_space<hbm>>
    %dma_start3A_100 = arith.constant 0 : i32
    %dma_start3A_101 = tpu.memref_slice %arg6[%squeeze3A_89, %dma_start3A_100] : memref<10x2048xf32, #tpu.memory_space<vmem>> -> memref<1x2048xf32, #tpu.memory_space<vmem>>
    tpu.enqueue_dma source(%dma_start3A_101 : memref<1x2048xf32, #tpu.memory_space<vmem>>) target(%dma_start3A_99 : memref<1x2048xf32, #tpu.memory_space<hbm>>) target_semaphore(%arg8 : memref<!tpu.dma_semaphore, #tpu.memory_space<semaphore_mem>>)
    %slice3A_102 = vector.extract_strided_slice %get3A_6 {offsets = [7], sizes = [1], strides = [1]} : vector<16xi32> to vector<1xi32>
    %squeeze3A_103 = vector.extract %slice3A_102[0] : i32 from vector<1xi32>
    %add3A_104 = arith.constant 0 : i32
    %add3A_105 = arith.addi %mul3A_2, %add3A_104 : i32
    %add3A_106 = arith.constant 7 : i32
    %add3A_107 = arith.addi %add3A_105, %add3A_106 : i32
    %dma_start3A_108 = arith.constant 0 : i32
    %dma_start3A_109 = tpu.memref_slice %arg6[%squeeze3A_103, %dma_start3A_108] : memref<10x2048xf32, #tpu.memory_space<vmem>> -> memref<1x2048xf32, #tpu.memory_space<vmem>>
    %dma_start3A_110 = arith.constant 0 : i32
    %dma_start3A_111 = tpu.memref_slice %arg4[%add3A_107, %dma_start3A_110] : memref<8192x2048xf32, #tpu.memory_space<hbm>> -> memref<1x2048xf32, #tpu.memory_space<hbm>>
    %dma_start3A_112 = arith.constant 0 : i32
    %dma_start3A_113 = tpu.memref_slice %arg4[%add3A_107, %dma_start3A_112] : memref<8192x2048xf32, #tpu.memory_space<hbm>> -> memref<1x2048xf32, #tpu.memory_space<hbm>>
    %dma_start3A_114 = arith.constant 0 : i32
    %dma_start3A_115 = tpu.memref_slice %arg6[%squeeze3A_103, %dma_start3A_114] : memref<10x2048xf32, #tpu.memory_space<vmem>> -> memref<1x2048xf32, #tpu.memory_space<vmem>>
    tpu.enqueue_dma source(%dma_start3A_115 : memref<1x2048xf32, #tpu.memory_space<vmem>>) target(%dma_start3A_113 : memref<1x2048xf32, #tpu.memory_space<hbm>>) target_semaphore(%arg8 : memref<!tpu.dma_semaphore, #tpu.memory_space<semaphore_mem>>)
    %get3A_116 = arith.constant 0 : i32
    %get3A_117 = arith.index_cast %get3A_116 : i32 to index
    %get3A_118 = arith.constant 0 : index
    %get3A_119 = tpu.vector_load %arg5[%get3A_117, %get3A_118] {strides = array<i32>} : memref<1x256xi32, #tpu.memory_space<vmem>>, vector<1x16xi32>,
    %get3A_120 = vector.shape_cast %get3A_119 : vector<1x16xi32> to vector<16xi32>
    %slice3A_121 = vector.extract_strided_slice %get3A_120 {offsets = [8], sizes = [1], strides = [1]} : vector<16xi32> to vector<1xi32>
    %squeeze3A_122 = vector.extract %slice3A_121[0] : i32 from vector<1xi32>
    %add3A_123 = arith.constant 8 : i32
    %add3A_124 = arith.addi %mul3A_2, %add3A_123 : i32
    %add3A_125 = arith.constant 0 : i32
    %add3A_126 = arith.addi %add3A_124, %add3A_125 : i32
    %dma_start3A_127 = arith.constant 0 : i32
    %dma_start3A_128 = tpu.memref_slice %arg6[%squeeze3A_122, %dma_start3A_127] : memref<10x2048xf32, #tpu.memory_space<vmem>> -> memref<1x2048xf32, #tpu.memory_space<vmem>>
    %dma_start3A_129 = arith.constant 0 : i32
    %dma_start3A_130 = tpu.memref_slice %arg4[%add3A_126, %dma_start3A_129] : memref<8192x2048xf32, #tpu.memory_space<hbm>> -> memref<1x2048xf32, #tpu.memory_space<hbm>>
    %dma_start3A_131 = arith.constant 0 : i32
    %dma_start3A_132 = tpu.memref_slice %arg4[%add3A_126, %dma_start3A_131] : memref<8192x2048xf32, #tpu.memory_space<hbm>> -> memref<1x2048xf32, #tpu.memory_space<hbm>>
    %dma_start3A_133 = arith.constant 0 : i32
    %dma_start3A_134 = tpu.memref_slice %arg6[%squeeze3A_122, %dma_start3A_133] : memref<10x2048xf32, #tpu.memory_space<vmem>> -> memref<1x2048xf32, #tpu.memory_space<vmem>>
    tpu.enqueue_dma source(%dma_start3A_134 : memref<1x2048xf32, #tpu.memory_space<vmem>>) target(%dma_start3A_132 : memref<1x2048xf32, #tpu.memory_space<hbm>>) target_semaphore(%arg9 : memref<!tpu.dma_semaphore, #tpu.memory_space<semaphore_mem>>)
    %slice3A_135 = vector.extract_strided_slice %get3A_120 {offsets = [9], sizes = [1], strides = [1]} : vector<16xi32> to vector<1xi32>
    %squeeze3A_136 = vector.extract %slice3A_135[0] : i32 from vector<1xi32>
    %add3A_137 = arith.constant 8 : i32
    %add3A_138 = arith.addi %mul3A_2, %add3A_137 : i32
    %add3A_139 = arith.constant 1 : i32
    %add3A_140 = arith.addi %add3A_138, %add3A_139 : i32
    %dma_start3A_141 = arith.constant 0 : i32
    %dma_start3A_142 = tpu.memref_slice %arg6[%squeeze3A_136, %dma_start3A_141] : memref<10x2048xf32, #tpu.memory_space<vmem>> -> memref<1x2048xf32, #tpu.memory_space<vmem>>
    %dma_start3A_143 = arith.constant 0 : i32
    %dma_start3A_144 = tpu.memref_slice %arg4[%add3A_140, %dma_start3A_143] : memref<8192x2048xf32, #tpu.memory_space<hbm>> -> memref<1x2048xf32, #tpu.memory_space<hbm>>
    %dma_start3A_145 = arith.constant 0 : i32
    %dma_start3A_146 = tpu.memref_slice %arg4[%add3A_140, %dma_start3A_145] : memref<8192x2048xf32, #tpu.memory_space<hbm>> -> memref<1x2048xf32, #tpu.memory_space<hbm>>
    %dma_start3A_147 = arith.constant 0 : i32
    %dma_start3A_148 = tpu.memref_slice %arg6[%squeeze3A_136, %dma_start3A_147] : memref<10x2048xf32, #tpu.memory_space<vmem>> -> memref<1x2048xf32, #tpu.memory_space<vmem>>
    tpu.enqueue_dma source(%dma_start3A_148 : memref<1x2048xf32, #tpu.memory_space<vmem>>) target(%dma_start3A_146 : memref<1x2048xf32, #tpu.memory_space<hbm>>) target_semaphore(%arg9 : memref<!tpu.dma_semaphore, #tpu.memory_space<semaphore_mem>>)
    %slice3A_149 = vector.extract_strided_slice %get3A_120 {offsets = [10], sizes = [1], strides = [1]} : vector<16xi32> to vector<1xi32>
    %squeeze3A_150 = vector.extract %slice3A_149[0] : i32 from vector<1xi32>
    %add3A_151 = arith.constant 8 : i32
    %add3A_152 = arith.addi %mul3A_2, %add3A_151 : i32
    %add3A_153 = arith.constant 2 : i32
    %add3A_154 = arith.addi %add3A_152, %add3A_153 : i32
    %dma_start3A_155 = arith.constant 0 : i32
    %dma_start3A_156 = tpu.memref_slice %arg6[%squeeze3A_150, %dma_start3A_155] : memref<10x2048xf32, #tpu.memory_space<vmem>> -> memref<1x2048xf32, #tpu.memory_space<vmem>>
    %dma_start3A_157 = arith.constant 0 : i32
    %dma_start3A_158 = tpu.memref_slice %arg4[%add3A_154, %dma_start3A_157] : memref<8192x2048xf32, #tpu.memory_space<hbm>> -> memref<1x2048xf32, #tpu.memory_space<hbm>>
    %dma_start3A_159 = arith.constant 0 : i32
    %dma_start3A_160 = tpu.memref_slice %arg4[%add3A_154, %dma_start3A_159] : memref<8192x2048xf32, #tpu.memory_space<hbm>> -> memref<1x2048xf32, #tpu.memory_space<hbm>>
    %dma_start3A_161 = arith.constant 0 : i32
    %dma_start3A_162 = tpu.memref_slice %arg6[%squeeze3A_150, %dma_start3A_161] : memref<10x2048xf32, #tpu.memory_space<vmem>> -> memref<1x2048xf32, #tpu.memory_space<vmem>>
    tpu.enqueue_dma source(%dma_start3A_162 : memref<1x2048xf32, #tpu.memory_space<vmem>>) target(%dma_start3A_160 : memref<1x2048xf32, #tpu.memory_space<hbm>>) target_semaphore(%arg9 : memref<!tpu.dma_semaphore, #tpu.memory_space<semaphore_mem>>)
    %slice3A_163 = vector.extract_strided_slice %get3A_120 {offsets = [11], sizes = [1], strides = [1]} : vector<16xi32> to vector<1xi32>
    %squeeze3A_164 = vector.extract %slice3A_163[0] : i32 from vector<1xi32>
    %add3A_165 = arith.constant 8 : i32
    %add3A_166 = arith.addi %mul3A_2, %add3A_165 : i32
    %add3A_167 = arith.constant 3 : i32
    %add3A_168 = arith.addi %add3A_166, %add3A_167 : i32
    %dma_start3A_169 = arith.constant 0 : i32
    %dma_start3A_170 = tpu.memref_slice %arg6[%squeeze3A_164, %dma_start3A_169] : memref<10x2048xf32, #tpu.memory_space<vmem>> -> memref<1x2048xf32, #tpu.memory_space<vmem>>
    %dma_start3A_171 = arith.constant 0 : i32
    %dma_start3A_172 = tpu.memref_slice %arg4[%add3A_168, %dma_start3A_171] : memref<8192x2048xf32, #tpu.memory_space<hbm>> -> memref<1x2048xf32, #tpu.memory_space<hbm>>
    %dma_start3A_173 = arith.constant 0 : i32
    %dma_start3A_174 = tpu.memref_slice %arg4[%add3A_168, %dma_start3A_173] : memref<8192x2048xf32, #tpu.memory_space<hbm>> -> memref<1x2048xf32, #tpu.memory_space<hbm>>
    %dma_start3A_175 = arith.constant 0 : i32
    %dma_start3A_176 = tpu.memref_slice %arg6[%squeeze3A_164, %dma_start3A_175] : memref<10x2048xf32, #tpu.memory_space<vmem>> -> memref<1x2048xf32, #tpu.memory_space<vmem>>
    tpu.enqueue_dma source(%dma_start3A_176 : memref<1x2048xf32, #tpu.memory_space<vmem>>) target(%dma_start3A_174 : memref<1x2048xf32, #tpu.memory_space<hbm>>) target_semaphore(%arg9 : memref<!tpu.dma_semaphore, #tpu.memory_space<semaphore_mem>>)
    %slice3A_177 = vector.extract_strided_slice %get3A_120 {offsets = [12], sizes = [1], strides = [1]} : vector<16xi32> to vector<1xi32>
    %squeeze3A_178 = vector.extract %slice3A_177[0] : i32 from vector<1xi32>
    %add3A_179 = arith.constant 8 : i32
    %add3A_180 = arith.addi %mul3A_2, %add3A_179 : i32
    %add3A_181 = arith.constant 4 : i32
    %add3A_182 = arith.addi %add3A_180, %add3A_181 : i32
    %dma_start3A_183 = arith.constant 0 : i32
    %dma_start3A_184 = tpu.memref_slice %arg6[%squeeze3A_178, %dma_start3A_183] : memref<10x2048xf32, #tpu.memory_space<vmem>> -> memref<1x2048xf32, #tpu.memory_space<vmem>>
    %dma_start3A_185 = arith.constant 0 : i32
    %dma_start3A_186 = tpu.memref_slice %arg4[%add3A_182, %dma_start3A_185] : memref<8192x2048xf32, #tpu.memory_space<hbm>> -> memref<1x2048xf32, #tpu.memory_space<hbm>>
    %dma_start3A_187 = arith.constant 0 : i32
    %dma_start3A_188 = tpu.memref_slice %arg4[%add3A_182, %dma_start3A_187] : memref<8192x2048xf32, #tpu.memory_space<hbm>> -> memref<1x2048xf32, #tpu.memory_space<hbm>>
    %dma_start3A_189 = arith.constant 0 : i32
    %dma_start3A_190 = tpu.memref_slice %arg6[%squeeze3A_178, %dma_start3A_189] : memref<10x2048xf32, #tpu.memory_space<vmem>> -> memref<1x2048xf32, #tpu.memory_space<vmem>>
    tpu.enqueue_dma source(%dma_start3A_190 : memref<1x2048xf32, #tpu.memory_space<vmem>>) target(%dma_start3A_188 : memref<1x2048xf32, #tpu.memory_space<hbm>>) target_semaphore(%arg9 : memref<!tpu.dma_semaphore, #tpu.memory_space<semaphore_mem>>)
    %slice3A_191 = vector.extract_strided_slice %get3A_120 {offsets = [13], sizes = [1], strides = [1]} : vector<16xi32> to vector<1xi32>
    %squeeze3A_192 = vector.extract %slice3A_191[0] : i32 from vector<1xi32>
    %add3A_193 = arith.constant 8 : i32
    %add3A_194 = arith.addi %mul3A_2, %add3A_193 : i32
    %add3A_195 = arith.constant 5 : i32
    %add3A_196 = arith.addi %add3A_194, %add3A_195 : i32
    %dma_start3A_197 = arith.constant 0 : i32
    %dma_start3A_198 = tpu.memref_slice %arg6[%squeeze3A_192, %dma_start3A_197] : memref<10x2048xf32, #tpu.memory_space<vmem>> -> memref<1x2048xf32, #tpu.memory_space<vmem>>
    %dma_start3A_199 = arith.constant 0 : i32
    %dma_start3A_200 = tpu.memref_slice %arg4[%add3A_196, %dma_start3A_199] : memref<8192x2048xf32, #tpu.memory_space<hbm>> -> memref<1x2048xf32, #tpu.memory_space<hbm>>
    %dma_start3A_201 = arith.constant 0 : i32
    %dma_start3A_202 = tpu.memref_slice %arg4[%add3A_196, %dma_start3A_201] : memref<8192x2048xf32, #tpu.memory_space<hbm>> -> memref<1x2048xf32, #tpu.memory_space<hbm>>
    %dma_start3A_203 = arith.constant 0 : i32
    %dma_start3A_204 = tpu.memref_slice %arg6[%squeeze3A_192, %dma_start3A_203] : memref<10x2048xf32, #tpu.memory_space<vmem>> -> memref<1x2048xf32, #tpu.memory_space<vmem>>
    tpu.enqueue_dma source(%dma_start3A_204 : memref<1x2048xf32, #tpu.memory_space<vmem>>) target(%dma_start3A_202 : memref<1x2048xf32, #tpu.memory_space<hbm>>) target_semaphore(%arg9 : memref<!tpu.dma_semaphore, #tpu.memory_space<semaphore_mem>>)
    %slice3A_205 = vector.extract_strided_slice %get3A_120 {offsets = [14], sizes = [1], strides = [1]} : vector<16xi32> to vector<1xi32>
    %squeeze3A_206 = vector.extract %slice3A_205[0] : i32 from vector<1xi32>
    %add3A_207 = arith.constant 8 : i32
    %add3A_208 = arith.addi %mul3A_2, %add3A_207 : i32
    %add3A_209 = arith.constant 6 : i32
    %add3A_210 = arith.addi %add3A_208, %add3A_209 : i32
    %dma_start3A_211 = arith.constant 0 : i32
    %dma_start3A_212 = tpu.memref_slice %arg6[%squeeze3A_206, %dma_start3A_211] : memref<10x2048xf32, #tpu.memory_space<vmem>> -> memref<1x2048xf32, #tpu.memory_space<vmem>>
    %dma_start3A_213 = arith.constant 0 : i32
    %dma_start3A_214 = tpu.memref_slice %arg4[%add3A_210, %dma_start3A_213] : memref<8192x2048xf32, #tpu.memory_space<hbm>> -> memref<1x2048xf32, #tpu.memory_space<hbm>>
    %dma_start3A_215 = arith.constant 0 : i32
    %dma_start3A_216 = tpu.memref_slice %arg4[%add3A_210, %dma_start3A_215] : memref<8192x2048xf32, #tpu.memory_space<hbm>> -> memref<1x2048xf32, #tpu.memory_space<hbm>>
    %dma_start3A_217 = arith.constant 0 : i32
    %dma_start3A_218 = tpu.memref_slice %arg6[%squeeze3A_206, %dma_start3A_217] : memref<10x2048xf32, #tpu.memory_space<vmem>> -> memref<1x2048xf32, #tpu.memory_space<vmem>>
    tpu.enqueue_dma source(%dma_start3A_218 : memref<1x2048xf32, #tpu.memory_space<vmem>>) target(%dma_start3A_216 : memref<1x2048xf32, #tpu.memory_space<hbm>>) target_semaphore(%arg9 : memref<!tpu.dma_semaphore, #tpu.memory_space<semaphore_mem>>)
    %slice3A_219 = vector.extract_strided_slice %get3A_120 {offsets = [15], sizes = [1], strides = [1]} : vector<16xi32> to vector<1xi32>
    %squeeze3A_220 = vector.extract %slice3A_219[0] : i32 from vector<1xi32>
    %add3A_221 = arith.constant 8 : i32
    %add3A_222 = arith.addi %mul3A_2, %add3A_221 : i32
    %add3A_223 = arith.constant 7 : i32
    %add3A_224 = arith.addi %add3A_222, %add3A_223 : i32
    %dma_start3A_225 = arith.constant 0 : i32
    %dma_start3A_226 = tpu.memref_slice %arg6[%squeeze3A_220, %dma_start3A_225] : memref<10x2048xf32, #tpu.memory_space<vmem>> -> memref<1x2048xf32, #tpu.memory_space<vmem>>
    %dma_start3A_227 = arith.constant 0 : i32
    %dma_start3A_228 = tpu.memref_slice %arg4[%add3A_224, %dma_start3A_227] : memref<8192x2048xf32, #tpu.memory_space<hbm>> -> memref<1x2048xf32, #tpu.memory_space<hbm>>
    %dma_start3A_229 = arith.constant 0 : i32
    %dma_start3A_230 = tpu.memref_slice %arg4[%add3A_224, %dma_start3A_229] : memref<8192x2048xf32, #tpu.memory_space<hbm>> -> memref<1x2048xf32, #tpu.memory_space<hbm>>
    %dma_start3A_231 = arith.constant 0 : i32
    %dma_start3A_232 = tpu.memref_slice %arg6[%squeeze3A_220, %dma_start3A_231] : memref<10x2048xf32, #tpu.memory_space<vmem>> -> memref<1x2048xf32, #tpu.memory_space<vmem>>
    tpu.enqueue_dma source(%dma_start3A_232 : memref<1x2048xf32, #tpu.memory_space<vmem>>) target(%dma_start3A_230 : memref<1x2048xf32, #tpu.memory_space<hbm>>) target_semaphore(%arg9 : memref<!tpu.dma_semaphore, #tpu.memory_space<semaphore_mem>>)
    %scan3A = arith.constant 0 : i32
    %scan3A_233 = arith.constant 1 : i32
    %scan3A_234 = arith.constant 15 : i32
    %scan3A_235 = arith.addi %scan3A_233, %scan3A_234 : i32
    %scan3A_236 = arith.constant 1 : i32
    scf.for %scan3A_249 = %scan3A_233 to %scan3A_235 step %scan3A_236  : i32 {
      %mul3A_250 = arith.constant 2 : i32
      %mul3A_251 = arith.muli %mul3A_250, %scan3A_249 : i32
      %sub3A = arith.constant 2 : i32
      %sub3A_252 = arith.subi %mul3A_251, %sub3A : i32
      %mul3A_253 = arith.constant 8 : i32
      %mul3A_254 = arith.muli %sub3A_252, %mul3A_253 : i32
      %add3A_255 = arith.addi %mul3A_2, %mul3A_254 : i32
      %dma_wait3A_256 = arith.constant 0 : i32
      %dma_wait3A_257 = tpu.memref_slice %arg4[%add3A_255, %dma_wait3A_256] : memref<8192x2048xf32, #tpu.memory_space<hbm>> -> memref<8x2048xf32, #tpu.memory_space<hbm>>
      %dma_wait3A_258 = arith.constant 0 : i32
      %dma_wait3A_259 = tpu.memref_slice %arg4[%add3A_255, %dma_wait3A_258] : memref<8192x2048xf32, #tpu.memory_space<hbm>> -> memref<8x2048xf32, #tpu.memory_space<hbm>>
      tpu.wait_dma2 semaphore(%arg8 : memref<!tpu.dma_semaphore, #tpu.memory_space<semaphore_mem>>) src(%dma_wait3A_259 : memref<8x2048xf32, #tpu.memory_space<hbm>>) dst(%dma_wait3A_257 : memref<8x2048xf32, #tpu.memory_space<hbm>>)
      %mul3A_260 = arith.constant 8 : i32
      %mul3A_261 = arith.muli %mul3A_251, %mul3A_260 : i32
      %sub3A_262 = arith.constant 0 : i32
      %sub3A_263 = arith.subi %mul3A_261, %sub3A_262 : i32
      %get3A_264 = arith.constant 0 : i32
      %get3A_265 = arith.index_cast %get3A_264 : i32 to index
      %get3A_266 = arith.index_cast %sub3A_263 : i32 to index
      %get3A_267 = tpu.vector_load %arg5[%get3A_265, %get3A_266] {strides = array<i32>} : memref<1x256xi32, #tpu.memory_space<vmem>>, vector<1x16xi32>,
      %get3A_268 = vector.shape_cast %get3A_267 : vector<1x16xi32> to vector<16xi32>
      %slice3A_269 = vector.extract_strided_slice %get3A_268 {offsets = [0], sizes = [1], strides = [1]} : vector<16xi32> to vector<1xi32>
      %squeeze3A_270 = vector.extract %slice3A_269[0] : i32 from vector<1xi32>
      %mul3A_271 = arith.constant 8 : i32
      %mul3A_272 = arith.muli %mul3A_251, %mul3A_271 : i32
      %add3A_273 = arith.addi %mul3A_2, %mul3A_272 : i32
      %add3A_274 = arith.constant 0 : i32
      %add3A_275 = arith.addi %add3A_273, %add3A_274 : i32
      %dma_start3A_276 = arith.constant 0 : i32
      %dma_start3A_277 = tpu.memref_slice %arg6[%squeeze3A_270, %dma_start3A_276] : memref<10x2048xf32, #tpu.memory_space<vmem>> -> memref<1x2048xf32, #tpu.memory_space<vmem>>
      %dma_start3A_278 = arith.constant 0 : i32
      %dma_start3A_279 = tpu.memref_slice %arg4[%add3A_275, %dma_start3A_278] : memref<8192x2048xf32, #tpu.memory_space<hbm>> -> memref<1x2048xf32, #tpu.memory_space<hbm>>
      %dma_start3A_280 = arith.constant 0 : i32
      %dma_start3A_281 = tpu.memref_slice %arg4[%add3A_275, %dma_start3A_280] : memref<8192x2048xf32, #tpu.memory_space<hbm>> -> memref<1x2048xf32, #tpu.memory_space<hbm>>
      %dma_start3A_282 = arith.constant 0 : i32
      %dma_start3A_283 = tpu.memref_slice %arg6[%squeeze3A_270, %dma_start3A_282] : memref<10x2048xf32, #tpu.memory_space<vmem>> -> memref<1x2048xf32, #tpu.memory_space<vmem>>
      tpu.enqueue_dma source(%dma_start3A_283 : memref<1x2048xf32, #tpu.memory_space<vmem>>) target(%dma_start3A_281 : memref<1x2048xf32, #tpu.memory_space<hbm>>) target_semaphore(%arg8 : memref<!tpu.dma_semaphore, #tpu.memory_space<semaphore_mem>>)
      %slice3A_284 = vector.extract_strided_slice %get3A_268 {offsets = [1], sizes = [1], strides = [1]} : vector<16xi32> to vector<1xi32>
      %squeeze3A_285 = vector.extract %slice3A_284[0] : i32 from vector<1xi32>
      %mul3A_286 = arith.constant 8 : i32
      %mul3A_287 = arith.muli %mul3A_251, %mul3A_286 : i32
      %add3A_288 = arith.addi %mul3A_2, %mul3A_287 : i32
      %add3A_289 = arith.constant 1 : i32
      %add3A_290 = arith.addi %add3A_288, %add3A_289 : i32
      %dma_start3A_291 = arith.constant 0 : i32
      %dma_start3A_292 = tpu.memref_slice %arg6[%squeeze3A_285, %dma_start3A_291] : memref<10x2048xf32, #tpu.memory_space<vmem>> -> memref<1x2048xf32, #tpu.memory_space<vmem>>
      %dma_start3A_293 = arith.constant 0 : i32
      %dma_start3A_294 = tpu.memref_slice %arg4[%add3A_290, %dma_start3A_293] : memref<8192x2048xf32, #tpu.memory_space<hbm>> -> memref<1x2048xf32, #tpu.memory_space<hbm>>
      %dma_start3A_295 = arith.constant 0 : i32
      %dma_start3A_296 = tpu.memref_slice %arg4[%add3A_290, %dma_start3A_295] : memref<8192x2048xf32, #tpu.memory_space<hbm>> -> memref<1x2048xf32, #tpu.memory_space<hbm>>
      %dma_start3A_297 = arith.constant 0 : i32
      %dma_start3A_298 = tpu.memref_slice %arg6[%squeeze3A_285, %dma_start3A_297] : memref<10x2048xf32, #tpu.memory_space<vmem>> -> memref<1x2048xf32, #tpu.memory_space<vmem>>
      tpu.enqueue_dma source(%dma_start3A_298 : memref<1x2048xf32, #tpu.memory_space<vmem>>) target(%dma_start3A_296 : memref<1x2048xf32, #tpu.memory_space<hbm>>) target_semaphore(%arg8 : memref<!tpu.dma_semaphore, #tpu.memory_space<semaphore_mem>>)
      %slice3A_299 = vector.extract_strided_slice %get3A_268 {offsets = [2], sizes = [1], strides = [1]} : vector<16xi32> to vector<1xi32>
      %squeeze3A_300 = vector.extract %slice3A_299[0] : i32 from vector<1xi32>
      %mul3A_301 = arith.constant 8 : i32
      %mul3A_302 = arith.muli %mul3A_251, %mul3A_301 : i32
      %add3A_303 = arith.addi %mul3A_2, %mul3A_302 : i32
      %add3A_304 = arith.constant 2 : i32
      %add3A_305 = arith.addi %add3A_303, %add3A_304 : i32
      %dma_start3A_306 = arith.constant 0 : i32
      %dma_start3A_307 = tpu.memref_slice %arg6[%squeeze3A_300, %dma_start3A_306] : memref<10x2048xf32, #tpu.memory_space<vmem>> -> memref<1x2048xf32, #tpu.memory_space<vmem>>
      %dma_start3A_308 = arith.constant 0 : i32
      %dma_start3A_309 = tpu.memref_slice %arg4[%add3A_305, %dma_start3A_308] : memref<8192x2048xf32, #tpu.memory_space<hbm>> -> memref<1x2048xf32, #tpu.memory_space<hbm>>
      %dma_start3A_310 = arith.constant 0 : i32
      %dma_start3A_311 = tpu.memref_slice %arg4[%add3A_305, %dma_start3A_310] : memref<8192x2048xf32, #tpu.memory_space<hbm>> -> memref<1x2048xf32, #tpu.memory_space<hbm>>
      %dma_start3A_312 = arith.constant 0 : i32
      %dma_start3A_313 = tpu.memref_slice %arg6[%squeeze3A_300, %dma_start3A_312] : memref<10x2048xf32, #tpu.memory_space<vmem>> -> memref<1x2048xf32, #tpu.memory_space<vmem>>
      tpu.enqueue_dma source(%dma_start3A_313 : memref<1x2048xf32, #tpu.memory_space<vmem>>) target(%dma_start3A_311 : memref<1x2048xf32, #tpu.memory_space<hbm>>) target_semaphore(%arg8 : memref<!tpu.dma_semaphore, #tpu.memory_space<semaphore_mem>>)
      %slice3A_314 = vector.extract_strided_slice %get3A_268 {offsets = [3], sizes = [1], strides = [1]} : vector<16xi32> to vector<1xi32>
      %squeeze3A_315 = vector.extract %slice3A_314[0] : i32 from vector<1xi32>
      %mul3A_316 = arith.constant 8 : i32
      %mul3A_317 = arith.muli %mul3A_251, %mul3A_316 : i32
      %add3A_318 = arith.addi %mul3A_2, %mul3A_317 : i32
      %add3A_319 = arith.constant 3 : i32
      %add3A_320 = arith.addi %add3A_318, %add3A_319 : i32
      %dma_start3A_321 = arith.constant 0 : i32
      %dma_start3A_322 = tpu.memref_slice %arg6[%squeeze3A_315, %dma_start3A_321] : memref<10x2048xf32, #tpu.memory_space<vmem>> -> memref<1x2048xf32, #tpu.memory_space<vmem>>
      %dma_start3A_323 = arith.constant 0 : i32
      %dma_start3A_324 = tpu.memref_slice %arg4[%add3A_320, %dma_start3A_323] : memref<8192x2048xf32, #tpu.memory_space<hbm>> -> memref<1x2048xf32, #tpu.memory_space<hbm>>
      %dma_start3A_325 = arith.constant 0 : i32
      %dma_start3A_326 = tpu.memref_slice %arg4[%add3A_320, %dma_start3A_325] : memref<8192x2048xf32, #tpu.memory_space<hbm>> -> memref<1x2048xf32, #tpu.memory_space<hbm>>
      %dma_start3A_327 = arith.constant 0 : i32
      %dma_start3A_328 = tpu.memref_slice %arg6[%squeeze3A_315, %dma_start3A_327] : memref<10x2048xf32, #tpu.memory_space<vmem>> -> memref<1x2048xf32, #tpu.memory_space<vmem>>
      tpu.enqueue_dma source(%dma_start3A_328 : memref<1x2048xf32, #tpu.memory_space<vmem>>) target(%dma_start3A_326 : memref<1x2048xf32, #tpu.memory_space<hbm>>) target_semaphore(%arg8 : memref<!tpu.dma_semaphore, #tpu.memory_space<semaphore_mem>>)
      %slice3A_329 = vector.extract_strided_slice %get3A_268 {offsets = [4], sizes = [1], strides = [1]} : vector<16xi32> to vector<1xi32>
      %squeeze3A_330 = vector.extract %slice3A_329[0] : i32 from vector<1xi32>
      %mul3A_331 = arith.constant 8 : i32
      %mul3A_332 = arith.muli %mul3A_251, %mul3A_331 : i32
      %add3A_333 = arith.addi %mul3A_2, %mul3A_332 : i32
      %add3A_334 = arith.constant 4 : i32
      %add3A_335 = arith.addi %add3A_333, %add3A_334 : i32
      %dma_start3A_336 = arith.constant 0 : i32
      %dma_start3A_337 = tpu.memref_slice %arg6[%squeeze3A_330, %dma_start3A_336] : memref<10x2048xf32, #tpu.memory_space<vmem>> -> memref<1x2048xf32, #tpu.memory_space<vmem>>
      %dma_start3A_338 = arith.constant 0 : i32
      %dma_start3A_339 = tpu.memref_slice %arg4[%add3A_335, %dma_start3A_338] : memref<8192x2048xf32, #tpu.memory_space<hbm>> -> memref<1x2048xf32, #tpu.memory_space<hbm>>
      %dma_start3A_340 = arith.constant 0 : i32
      %dma_start3A_341 = tpu.memref_slice %arg4[%add3A_335, %dma_start3A_340] : memref<8192x2048xf32, #tpu.memory_space<hbm>> -> memref<1x2048xf32, #tpu.memory_space<hbm>>
      %dma_start3A_342 = arith.constant 0 : i32
      %dma_start3A_343 = tpu.memref_slice %arg6[%squeeze3A_330, %dma_start3A_342] : memref<10x2048xf32, #tpu.memory_space<vmem>> -> memref<1x2048xf32, #tpu.memory_space<vmem>>
      tpu.enqueue_dma source(%dma_start3A_343 : memref<1x2048xf32, #tpu.memory_space<vmem>>) target(%dma_start3A_341 : memref<1x2048xf32, #tpu.memory_space<hbm>>) target_semaphore(%arg8 : memref<!tpu.dma_semaphore, #tpu.memory_space<semaphore_mem>>)
      %slice3A_344 = vector.extract_strided_slice %get3A_268 {offsets = [5], sizes = [1], strides = [1]} : vector<16xi32> to vector<1xi32>
      %squeeze3A_345 = vector.extract %slice3A_344[0] : i32 from vector<1xi32>
      %mul3A_346 = arith.constant 8 : i32
      %mul3A_347 = arith.muli %mul3A_251, %mul3A_346 : i32
      %add3A_348 = arith.addi %mul3A_2, %mul3A_347 : i32
      %add3A_349 = arith.constant 5 : i32
      %add3A_350 = arith.addi %add3A_348, %add3A_349 : i32
      %dma_start3A_351 = arith.constant 0 : i32
      %dma_start3A_352 = tpu.memref_slice %arg6[%squeeze3A_345, %dma_start3A_351] : memref<10x2048xf32, #tpu.memory_space<vmem>> -> memref<1x2048xf32, #tpu.memory_space<vmem>>
      %dma_start3A_353 = arith.constant 0 : i32
      %dma_start3A_354 = tpu.memref_slice %arg4[%add3A_350, %dma_start3A_353] : memref<8192x2048xf32, #tpu.memory_space<hbm>> -> memref<1x2048xf32, #tpu.memory_space<hbm>>
      %dma_start3A_355 = arith.constant 0 : i32
      %dma_start3A_356 = tpu.memref_slice %arg4[%add3A_350, %dma_start3A_355] : memref<8192x2048xf32, #tpu.memory_space<hbm>> -> memref<1x2048xf32, #tpu.memory_space<hbm>>
      %dma_start3A_357 = arith.constant 0 : i32
      %dma_start3A_358 = tpu.memref_slice %arg6[%squeeze3A_345, %dma_start3A_357] : memref<10x2048xf32, #tpu.memory_space<vmem>> -> memref<1x2048xf32, #tpu.memory_space<vmem>>
      tpu.enqueue_dma source(%dma_start3A_358 : memref<1x2048xf32, #tpu.memory_space<vmem>>) target(%dma_start3A_356 : memref<1x2048xf32, #tpu.memory_space<hbm>>) target_semaphore(%arg8 : memref<!tpu.dma_semaphore, #tpu.memory_space<semaphore_mem>>)
      %slice3A_359 = vector.extract_strided_slice %get3A_268 {offsets = [6], sizes = [1], strides = [1]} : vector<16xi32> to vector<1xi32>
      %squeeze3A_360 = vector.extract %slice3A_359[0] : i32 from vector<1xi32>
      %mul3A_361 = arith.constant 8 : i32
      %mul3A_362 = arith.muli %mul3A_251, %mul3A_361 : i32
      %add3A_363 = arith.addi %mul3A_2, %mul3A_362 : i32
      %add3A_364 = arith.constant 6 : i32
      %add3A_365 = arith.addi %add3A_363, %add3A_364 : i32
      %dma_start3A_366 = arith.constant 0 : i32
      %dma_start3A_367 = tpu.memref_slice %arg6[%squeeze3A_360, %dma_start3A_366] : memref<10x2048xf32, #tpu.memory_space<vmem>> -> memref<1x2048xf32, #tpu.memory_space<vmem>>
      %dma_start3A_368 = arith.constant 0 : i32
      %dma_start3A_369 = tpu.memref_slice %arg4[%add3A_365, %dma_start3A_368] : memref<8192x2048xf32, #tpu.memory_space<hbm>> -> memref<1x2048xf32, #tpu.memory_space<hbm>>
      %dma_start3A_370 = arith.constant 0 : i32
      %dma_start3A_371 = tpu.memref_slice %arg4[%add3A_365, %dma_start3A_370] : memref<8192x2048xf32, #tpu.memory_space<hbm>> -> memref<1x2048xf32, #tpu.memory_space<hbm>>
      %dma_start3A_372 = arith.constant 0 : i32
      %dma_start3A_373 = tpu.memref_slice %arg6[%squeeze3A_360, %dma_start3A_372] : memref<10x2048xf32, #tpu.memory_space<vmem>> -> memref<1x2048xf32, #tpu.memory_space<vmem>>
      tpu.enqueue_dma source(%dma_start3A_373 : memref<1x2048xf32, #tpu.memory_space<vmem>>) target(%dma_start3A_371 : memref<1x2048xf32, #tpu.memory_space<hbm>>) target_semaphore(%arg8 : memref<!tpu.dma_semaphore, #tpu.memory_space<semaphore_mem>>)
      %slice3A_374 = vector.extract_strided_slice %get3A_268 {offsets = [7], sizes = [1], strides = [1]} : vector<16xi32> to vector<1xi32>
      %squeeze3A_375 = vector.extract %slice3A_374[0] : i32 from vector<1xi32>
      %mul3A_376 = arith.constant 8 : i32
      %mul3A_377 = arith.muli %mul3A_251, %mul3A_376 : i32
      %add3A_378 = arith.addi %mul3A_2, %mul3A_377 : i32
      %add3A_379 = arith.constant 7 : i32
      %add3A_380 = arith.addi %add3A_378, %add3A_379 : i32
      %dma_start3A_381 = arith.constant 0 : i32
      %dma_start3A_382 = tpu.memref_slice %arg6[%squeeze3A_375, %dma_start3A_381] : memref<10x2048xf32, #tpu.memory_space<vmem>> -> memref<1x2048xf32, #tpu.memory_space<vmem>>
      %dma_start3A_383 = arith.constant 0 : i32
      %dma_start3A_384 = tpu.memref_slice %arg4[%add3A_380, %dma_start3A_383] : memref<8192x2048xf32, #tpu.memory_space<hbm>> -> memref<1x2048xf32, #tpu.memory_space<hbm>>
      %dma_start3A_385 = arith.constant 0 : i32
      %dma_start3A_386 = tpu.memref_slice %arg4[%add3A_380, %dma_start3A_385] : memref<8192x2048xf32, #tpu.memory_space<hbm>> -> memref<1x2048xf32, #tpu.memory_space<hbm>>
      %dma_start3A_387 = arith.constant 0 : i32
      %dma_start3A_388 = tpu.memref_slice %arg6[%squeeze3A_375, %dma_start3A_387] : memref<10x2048xf32, #tpu.memory_space<vmem>> -> memref<1x2048xf32, #tpu.memory_space<vmem>>
      tpu.enqueue_dma source(%dma_start3A_388 : memref<1x2048xf32, #tpu.memory_space<vmem>>) target(%dma_start3A_386 : memref<1x2048xf32, #tpu.memory_space<hbm>>) target_semaphore(%arg8 : memref<!tpu.dma_semaphore, #tpu.memory_space<semaphore_mem>>)
      %sub3A_389 = arith.constant 1 : i32
      %sub3A_390 = arith.subi %mul3A_251, %sub3A_389 : i32
      %mul3A_391 = arith.constant 8 : i32
      %mul3A_392 = arith.muli %sub3A_390, %mul3A_391 : i32
      %add3A_393 = arith.addi %mul3A_2, %mul3A_392 : i32
      %dma_wait3A_394 = arith.constant 0 : i32
      %dma_wait3A_395 = tpu.memref_slice %arg4[%add3A_393, %dma_wait3A_394] : memref<8192x2048xf32, #tpu.memory_space<hbm>> -> memref<8x2048xf32, #tpu.memory_space<hbm>>
      %dma_wait3A_396 = arith.constant 0 : i32
      %dma_wait3A_397 = tpu.memref_slice %arg4[%add3A_393, %dma_wait3A_396] : memref<8192x2048xf32, #tpu.memory_space<hbm>> -> memref<8x2048xf32, #tpu.memory_space<hbm>>
      tpu.wait_dma2 semaphore(%arg9 : memref<!tpu.dma_semaphore, #tpu.memory_space<semaphore_mem>>) src(%dma_wait3A_397 : memref<8x2048xf32, #tpu.memory_space<hbm>>) dst(%dma_wait3A_395 : memref<8x2048xf32, #tpu.memory_space<hbm>>)
      %add3A_398 = arith.constant 1 : i32
      %add3A_399 = arith.addi %mul3A_251, %add3A_398 : i32
      %mul3A_400 = arith.constant 8 : i32
      %mul3A_401 = arith.muli %add3A_399, %mul3A_400 : i32
      %sub3A_402 = arith.constant 8 : i32
      %sub3A_403 = arith.subi %mul3A_401, %sub3A_402 : i32
      %get3A_404 = arith.constant 0 : i32
      %get3A_405 = arith.index_cast %get3A_404 : i32 to index
      %get3A_406 = arith.index_cast %sub3A_403 : i32 to index
      %get3A_407 = tpu.vector_load %arg5[%get3A_405, %get3A_406] {strides = array<i32>} : memref<1x256xi32, #tpu.memory_space<vmem>>, vector<1x16xi32>,
      %get3A_408 = vector.shape_cast %get3A_407 : vector<1x16xi32> to vector<16xi32>
      %slice3A_409 = vector.extract_strided_slice %get3A_408 {offsets = [8], sizes = [1], strides = [1]} : vector<16xi32> to vector<1xi32>
      %squeeze3A_410 = vector.extract %slice3A_409[0] : i32 from vector<1xi32>
      %mul3A_411 = arith.constant 8 : i32
      %mul3A_412 = arith.muli %add3A_399, %mul3A_411 : i32
      %add3A_413 = arith.addi %mul3A_2, %mul3A_412 : i32
      %add3A_414 = arith.constant 0 : i32
      %add3A_415 = arith.addi %add3A_413, %add3A_414 : i32
      %dma_start3A_416 = arith.constant 0 : i32
      %dma_start3A_417 = tpu.memref_slice %arg6[%squeeze3A_410, %dma_start3A_416] : memref<10x2048xf32, #tpu.memory_space<vmem>> -> memref<1x2048xf32, #tpu.memory_space<vmem>>
      %dma_start3A_418 = arith.constant 0 : i32
      %dma_start3A_419 = tpu.memref_slice %arg4[%add3A_415, %dma_start3A_418] : memref<8192x2048xf32, #tpu.memory_space<hbm>> -> memref<1x2048xf32, #tpu.memory_space<hbm>>
      %dma_start3A_420 = arith.constant 0 : i32
      %dma_start3A_421 = tpu.memref_slice %arg4[%add3A_415, %dma_start3A_420] : memref<8192x2048xf32, #tpu.memory_space<hbm>> -> memref<1x2048xf32, #tpu.memory_space<hbm>>
      %dma_start3A_422 = arith.constant 0 : i32
      %dma_start3A_423 = tpu.memref_slice %arg6[%squeeze3A_410, %dma_start3A_422] : memref<10x2048xf32, #tpu.memory_space<vmem>> -> memref<1x2048xf32, #tpu.memory_space<vmem>>
      tpu.enqueue_dma source(%dma_start3A_423 : memref<1x2048xf32, #tpu.memory_space<vmem>>) target(%dma_start3A_421 : memref<1x2048xf32, #tpu.memory_space<hbm>>) target_semaphore(%arg9 : memref<!tpu.dma_semaphore, #tpu.memory_space<semaphore_mem>>)
      %slice3A_424 = vector.extract_strided_slice %get3A_408 {offsets = [9], sizes = [1], strides = [1]} : vector<16xi32> to vector<1xi32>
      %squeeze3A_425 = vector.extract %slice3A_424[0] : i32 from vector<1xi32>
      %mul3A_426 = arith.constant 8 : i32
      %mul3A_427 = arith.muli %add3A_399, %mul3A_426 : i32
      %add3A_428 = arith.addi %mul3A_2, %mul3A_427 : i32
      %add3A_429 = arith.constant 1 : i32
      %add3A_430 = arith.addi %add3A_428, %add3A_429 : i32
      %dma_start3A_431 = arith.constant 0 : i32
      %dma_start3A_432 = tpu.memref_slice %arg6[%squeeze3A_425, %dma_start3A_431] : memref<10x2048xf32, #tpu.memory_space<vmem>> -> memref<1x2048xf32, #tpu.memory_space<vmem>>
      %dma_start3A_433 = arith.constant 0 : i32
      %dma_start3A_434 = tpu.memref_slice %arg4[%add3A_430, %dma_start3A_433] : memref<8192x2048xf32, #tpu.memory_space<hbm>> -> memref<1x2048xf32, #tpu.memory_space<hbm>>
      %dma_start3A_435 = arith.constant 0 : i32
      %dma_start3A_436 = tpu.memref_slice %arg4[%add3A_430, %dma_start3A_435] : memref<8192x2048xf32, #tpu.memory_space<hbm>> -> memref<1x2048xf32, #tpu.memory_space<hbm>>
      %dma_start3A_437 = arith.constant 0 : i32
      %dma_start3A_438 = tpu.memref_slice %arg6[%squeeze3A_425, %dma_start3A_437] : memref<10x2048xf32, #tpu.memory_space<vmem>> -> memref<1x2048xf32, #tpu.memory_space<vmem>>
      tpu.enqueue_dma source(%dma_start3A_438 : memref<1x2048xf32, #tpu.memory_space<vmem>>) target(%dma_start3A_436 : memref<1x2048xf32, #tpu.memory_space<hbm>>) target_semaphore(%arg9 : memref<!tpu.dma_semaphore, #tpu.memory_space<semaphore_mem>>)
      %slice3A_439 = vector.extract_strided_slice %get3A_408 {offsets = [10], sizes = [1], strides = [1]} : vector<16xi32> to vector<1xi32>
      %squeeze3A_440 = vector.extract %slice3A_439[0] : i32 from vector<1xi32>
      %mul3A_441 = arith.constant 8 : i32
      %mul3A_442 = arith.muli %add3A_399, %mul3A_441 : i32
      %add3A_443 = arith.addi %mul3A_2, %mul3A_442 : i32
      %add3A_444 = arith.constant 2 : i32
      %add3A_445 = arith.addi %add3A_443, %add3A_444 : i32
      %dma_start3A_446 = arith.constant 0 : i32
      %dma_start3A_447 = tpu.memref_slice %arg6[%squeeze3A_440, %dma_start3A_446] : memref<10x2048xf32, #tpu.memory_space<vmem>> -> memref<1x2048xf32, #tpu.memory_space<vmem>>
      %dma_start3A_448 = arith.constant 0 : i32
      %dma_start3A_449 = tpu.memref_slice %arg4[%add3A_445, %dma_start3A_448] : memref<8192x2048xf32, #tpu.memory_space<hbm>> -> memref<1x2048xf32, #tpu.memory_space<hbm>>
      %dma_start3A_450 = arith.constant 0 : i32
      %dma_start3A_451 = tpu.memref_slice %arg4[%add3A_445, %dma_start3A_450] : memref<8192x2048xf32, #tpu.memory_space<hbm>> -> memref<1x2048xf32, #tpu.memory_space<hbm>>
      %dma_start3A_452 = arith.constant 0 : i32
      %dma_start3A_453 = tpu.memref_slice %arg6[%squeeze3A_440, %dma_start3A_452] : memref<10x2048xf32, #tpu.memory_space<vmem>> -> memref<1x2048xf32, #tpu.memory_space<vmem>>
      tpu.enqueue_dma source(%dma_start3A_453 : memref<1x2048xf32, #tpu.memory_space<vmem>>) target(%dma_start3A_451 : memref<1x2048xf32, #tpu.memory_space<hbm>>) target_semaphore(%arg9 : memref<!tpu.dma_semaphore, #tpu.memory_space<semaphore_mem>>)
      %slice3A_454 = vector.extract_strided_slice %get3A_408 {offsets = [11], sizes = [1], strides = [1]} : vector<16xi32> to vector<1xi32>
      %squeeze3A_455 = vector.extract %slice3A_454[0] : i32 from vector<1xi32>
      %mul3A_456 = arith.constant 8 : i32
      %mul3A_457 = arith.muli %add3A_399, %mul3A_456 : i32
      %add3A_458 = arith.addi %mul3A_2, %mul3A_457 : i32
      %add3A_459 = arith.constant 3 : i32
      %add3A_460 = arith.addi %add3A_458, %add3A_459 : i32
      %dma_start3A_461 = arith.constant 0 : i32
      %dma_start3A_462 = tpu.memref_slice %arg6[%squeeze3A_455, %dma_start3A_461] : memref<10x2048xf32, #tpu.memory_space<vmem>> -> memref<1x2048xf32, #tpu.memory_space<vmem>>
      %dma_start3A_463 = arith.constant 0 : i32
      %dma_start3A_464 = tpu.memref_slice %arg4[%add3A_460, %dma_start3A_463] : memref<8192x2048xf32, #tpu.memory_space<hbm>> -> memref<1x2048xf32, #tpu.memory_space<hbm>>
      %dma_start3A_465 = arith.constant 0 : i32
      %dma_start3A_466 = tpu.memref_slice %arg4[%add3A_460, %dma_start3A_465] : memref<8192x2048xf32, #tpu.memory_space<hbm>> -> memref<1x2048xf32, #tpu.memory_space<hbm>>
      %dma_start3A_467 = arith.constant 0 : i32
      %dma_start3A_468 = tpu.memref_slice %arg6[%squeeze3A_455, %dma_start3A_467] : memref<10x2048xf32, #tpu.memory_space<vmem>> -> memref<1x2048xf32, #tpu.memory_space<vmem>>
      tpu.enqueue_dma source(%dma_start3A_468 : memref<1x2048xf32, #tpu.memory_space<vmem>>) target(%dma_start3A_466 : memref<1x2048xf32, #tpu.memory_space<hbm>>) target_semaphore(%arg9 : memref<!tpu.dma_semaphore, #tpu.memory_space<semaphore_mem>>)
      %slice3A_469 = vector.extract_strided_slice %get3A_408 {offsets = [12], sizes = [1], strides = [1]} : vector<16xi32> to vector<1xi32>
      %squeeze3A_470 = vector.extract %slice3A_469[0] : i32 from vector<1xi32>
      %mul3A_471 = arith.constant 8 : i32
      %mul3A_472 = arith.muli %add3A_399, %mul3A_471 : i32
      %add3A_473 = arith.addi %mul3A_2, %mul3A_472 : i32
      %add3A_474 = arith.constant 4 : i32
      %add3A_475 = arith.addi %add3A_473, %add3A_474 : i32
      %dma_start3A_476 = arith.constant 0 : i32
      %dma_start3A_477 = tpu.memref_slice %arg6[%squeeze3A_470, %dma_start3A_476] : memref<10x2048xf32, #tpu.memory_space<vmem>> -> memref<1x2048xf32, #tpu.memory_space<vmem>>
      %dma_start3A_478 = arith.constant 0 : i32
      %dma_start3A_479 = tpu.memref_slice %arg4[%add3A_475, %dma_start3A_478] : memref<8192x2048xf32, #tpu.memory_space<hbm>> -> memref<1x2048xf32, #tpu.memory_space<hbm>>
      %dma_start3A_480 = arith.constant 0 : i32
      %dma_start3A_481 = tpu.memref_slice %arg4[%add3A_475, %dma_start3A_480] : memref<8192x2048xf32, #tpu.memory_space<hbm>> -> memref<1x2048xf32, #tpu.memory_space<hbm>>
      %dma_start3A_482 = arith.constant 0 : i32
      %dma_start3A_483 = tpu.memref_slice %arg6[%squeeze3A_470, %dma_start3A_482] : memref<10x2048xf32, #tpu.memory_space<vmem>> -> memref<1x2048xf32, #tpu.memory_space<vmem>>
      tpu.enqueue_dma source(%dma_start3A_483 : memref<1x2048xf32, #tpu.memory_space<vmem>>) target(%dma_start3A_481 : memref<1x2048xf32, #tpu.memory_space<hbm>>) target_semaphore(%arg9 : memref<!tpu.dma_semaphore, #tpu.memory_space<semaphore_mem>>)
      %slice3A_484 = vector.extract_strided_slice %get3A_408 {offsets = [13], sizes = [1], strides = [1]} : vector<16xi32> to vector<1xi32>
      %squeeze3A_485 = vector.extract %slice3A_484[0] : i32 from vector<1xi32>
      %mul3A_486 = arith.constant 8 : i32
      %mul3A_487 = arith.muli %add3A_399, %mul3A_486 : i32
      %add3A_488 = arith.addi %mul3A_2, %mul3A_487 : i32
      %add3A_489 = arith.constant 5 : i32
      %add3A_490 = arith.addi %add3A_488, %add3A_489 : i32
      %dma_start3A_491 = arith.constant 0 : i32
      %dma_start3A_492 = tpu.memref_slice %arg6[%squeeze3A_485, %dma_start3A_491] : memref<10x2048xf32, #tpu.memory_space<vmem>> -> memref<1x2048xf32, #tpu.memory_space<vmem>>
      %dma_start3A_493 = arith.constant 0 : i32
      %dma_start3A_494 = tpu.memref_slice %arg4[%add3A_490, %dma_start3A_493] : memref<8192x2048xf32, #tpu.memory_space<hbm>> -> memref<1x2048xf32, #tpu.memory_space<hbm>>
      %dma_start3A_495 = arith.constant 0 : i32
      %dma_start3A_496 = tpu.memref_slice %arg4[%add3A_490, %dma_start3A_495] : memref<8192x2048xf32, #tpu.memory_space<hbm>> -> memref<1x2048xf32, #tpu.memory_space<hbm>>
      %dma_start3A_497 = arith.constant 0 : i32
      %dma_start3A_498 = tpu.memref_slice %arg6[%squeeze3A_485, %dma_start3A_497] : memref<10x2048xf32, #tpu.memory_space<vmem>> -> memref<1x2048xf32, #tpu.memory_space<vmem>>
      tpu.enqueue_dma source(%dma_start3A_498 : memref<1x2048xf32, #tpu.memory_space<vmem>>) target(%dma_start3A_496 : memref<1x2048xf32, #tpu.memory_space<hbm>>) target_semaphore(%arg9 : memref<!tpu.dma_semaphore, #tpu.memory_space<semaphore_mem>>)
      %slice3A_499 = vector.extract_strided_slice %get3A_408 {offsets = [14], sizes = [1], strides = [1]} : vector<16xi32> to vector<1xi32>
      %squeeze3A_500 = vector.extract %slice3A_499[0] : i32 from vector<1xi32>
      %mul3A_501 = arith.constant 8 : i32
      %mul3A_502 = arith.muli %add3A_399, %mul3A_501 : i32
      %add3A_503 = arith.addi %mul3A_2, %mul3A_502 : i32
      %add3A_504 = arith.constant 6 : i32
      %add3A_505 = arith.addi %add3A_503, %add3A_504 : i32
      %dma_start3A_506 = arith.constant 0 : i32
      %dma_start3A_507 = tpu.memref_slice %arg6[%squeeze3A_500, %dma_start3A_506] : memref<10x2048xf32, #tpu.memory_space<vmem>> -> memref<1x2048xf32, #tpu.memory_space<vmem>>
      %dma_start3A_508 = arith.constant 0 : i32
      %dma_start3A_509 = tpu.memref_slice %arg4[%add3A_505, %dma_start3A_508] : memref<8192x2048xf32, #tpu.memory_space<hbm>> -> memref<1x2048xf32, #tpu.memory_space<hbm>>
      %dma_start3A_510 = arith.constant 0 : i32
      %dma_start3A_511 = tpu.memref_slice %arg4[%add3A_505, %dma_start3A_510] : memref<8192x2048xf32, #tpu.memory_space<hbm>> -> memref<1x2048xf32, #tpu.memory_space<hbm>>
      %dma_start3A_512 = arith.constant 0 : i32
      %dma_start3A_513 = tpu.memref_slice %arg6[%squeeze3A_500, %dma_start3A_512] : memref<10x2048xf32, #tpu.memory_space<vmem>> -> memref<1x2048xf32, #tpu.memory_space<vmem>>
      tpu.enqueue_dma source(%dma_start3A_513 : memref<1x2048xf32, #tpu.memory_space<vmem>>) target(%dma_start3A_511 : memref<1x2048xf32, #tpu.memory_space<hbm>>) target_semaphore(%arg9 : memref<!tpu.dma_semaphore, #tpu.memory_space<semaphore_mem>>)
      %slice3A_514 = vector.extract_strided_slice %get3A_408 {offsets = [15], sizes = [1], strides = [1]} : vector<16xi32> to vector<1xi32>
      %squeeze3A_515 = vector.extract %slice3A_514[0] : i32 from vector<1xi32>
      %mul3A_516 = arith.constant 8 : i32
      %mul3A_517 = arith.muli %add3A_399, %mul3A_516 : i32
      %add3A_518 = arith.addi %mul3A_2, %mul3A_517 : i32
      %add3A_519 = arith.constant 7 : i32
      %add3A_520 = arith.addi %add3A_518, %add3A_519 : i32
      %dma_start3A_521 = arith.constant 0 : i32
      %dma_start3A_522 = tpu.memref_slice %arg6[%squeeze3A_515, %dma_start3A_521] : memref<10x2048xf32, #tpu.memory_space<vmem>> -> memref<1x2048xf32, #tpu.memory_space<vmem>>
      %dma_start3A_523 = arith.constant 0 : i32
      %dma_start3A_524 = tpu.memref_slice %arg4[%add3A_520, %dma_start3A_523] : memref<8192x2048xf32, #tpu.memory_space<hbm>> -> memref<1x2048xf32, #tpu.memory_space<hbm>>
      %dma_start3A_525 = arith.constant 0 : i32
      %dma_start3A_526 = tpu.memref_slice %arg4[%add3A_520, %dma_start3A_525] : memref<8192x2048xf32, #tpu.memory_space<hbm>> -> memref<1x2048xf32, #tpu.memory_space<hbm>>
      %dma_start3A_527 = arith.constant 0 : i32
      %dma_start3A_528 = tpu.memref_slice %arg6[%squeeze3A_515, %dma_start3A_527] : memref<10x2048xf32, #tpu.memory_space<vmem>> -> memref<1x2048xf32, #tpu.memory_space<vmem>>
      tpu.enqueue_dma source(%dma_start3A_528 : memref<1x2048xf32, #tpu.memory_space<vmem>>) target(%dma_start3A_526 : memref<1x2048xf32, #tpu.memory_space<hbm>>) target_semaphore(%arg9 : memref<!tpu.dma_semaphore, #tpu.memory_space<semaphore_mem>>)
    }
    %scan3A_237 = arith.constant 15 : i32
    %add3A_238 = arith.constant 240 : i32
    %add3A_239 = arith.addi %mul3A_2, %add3A_238 : i32
    %dma_wait3A = arith.constant 0 : i32
    %dma_wait3A_240 = tpu.memref_slice %arg4[%add3A_239, %dma_wait3A] : memref<8192x2048xf32, #tpu.memory_space<hbm>> -> memref<8x2048xf32, #tpu.memory_space<hbm>>
    %dma_wait3A_241 = arith.constant 0 : i32
    %dma_wait3A_242 = tpu.memref_slice %arg4[%add3A_239, %dma_wait3A_241] : memref<8192x2048xf32, #tpu.memory_space<hbm>> -> memref<8x2048xf32, #tpu.memory_space<hbm>>
    tpu.wait_dma2 semaphore(%arg8 : memref<!tpu.dma_semaphore, #tpu.memory_space<semaphore_mem>>) src(%dma_wait3A_242 : memref<8x2048xf32, #tpu.memory_space<hbm>>) dst(%dma_wait3A_240 : memref<8x2048xf32, #tpu.memory_space<hbm>>)
    %add3A_243 = arith.constant 248 : i32
    %add3A_244 = arith.addi %mul3A_2, %add3A_243 : i32
    %dma_wait3A_245 = arith.constant 0 : i32
    %dma_wait3A_246 = tpu.memref_slice %arg4[%add3A_244, %dma_wait3A_245] : memref<8192x2048xf32, #tpu.memory_space<hbm>> -> memref<8x2048xf32, #tpu.memory_space<hbm>>
    %dma_wait3A_247 = arith.constant 0 : i32
    %dma_wait3A_248 = tpu.memref_slice %arg4[%add3A_244, %dma_wait3A_247] : memref<8192x2048xf32, #tpu.memory_space<hbm>> -> memref<8x2048xf32, #tpu.memory_space<hbm>>
    tpu.wait_dma2 semaphore(%arg9 : memref<!tpu.dma_semaphore, #tpu.memory_space<semaphore_mem>>) src(%dma_wait3A_248 : memref<8x2048xf32, #tpu.memory_space<hbm>>) dst(%dma_wait3A_246 : memref<8x2048xf32, #tpu.memory_space<hbm>>)
    return
  }
}

</mosaic_0001>

<sc_bundles>
// kernel: kernel.3.cloned.1.call-start
scs
__scs_entry_jumppad:
0x0: {  	(pc) =	sbr.rel $0x88, $3  }
0x1: {  	(tag) =	ssettag $0x0;
	lr =	simm.s32 $0x1  }
0x2: {  	[smem:$0x3F9F] =	sst lr;
	_ =	strace $0xD0000000  }
0x3: {  	_ = 	snop  }
0x4: {  	_ = 	snop  }
0x5: {  	_ = 	snop  }
0x6: {  	_ = 	snop  }
0x7: {  	_ = 	snop  }
__scs_overlays_trampoline_lowered:
0x8: {  	[smem:$0x3FAE] =	sst s0  }
0x9: {  	[smem:$0x3FAF] =	sst s1  }
0xa: {  	[smem:$0x3FB0] =	sst s2  }
0xb: {  	[smem:$0x3FB1] =	sst s3  }
0xc: {  	[smem:$0x3FB2] =	sst s4  }
0xd: {  	[smem:$0x3FB3] =	sst s5  }
0xe: {  	[smem:$0x3FB4] =	sst s6  }
0xf: {  	[smem:$0x3FB5] =	sst s7  }
0x10: {  	[smem:$0x3FB6] =	sst s8  }
0x11: {  	[smem:$0x3FB7] =	sst s9;
	s0 =	simm.s32 @!p0 $0x0  }
0x12: {  	s1 =	sld [smem:$0x3F9D];
	s0 =	simm.s32 @p0 $0x1  }
0x13: {  	[smem:$0x3FB8] =	sst s0;
	s0 =	simm.s32 @!p1 $0x0  }
0x14: {  	s2 =	sld [smem:$0x3F9C];
	s0 =	simm.s32 @p1 $0x1  }
0x15: {  	[smem:$0x3FB9] =	sst s0;
	s0 =	simm.s32 @!p2 $0x0  }
0x16: {  	s3 =	sld [smem:$0x3FDB];
	s0 =	simm.s32 @p2 $0x1  }
0x17: {  	s4 =	simm.s32 $0x1BF5;
	[smem:$0x3FBB] =	sst s0  }
0x18: {  	s0 =	sld [smem:$0x3F9E];
	_ =	swait.ge [sflag:s4], $0x0  }
0x19: {  	s7 =	sld [smem:$0x3F9F]  }
0x1a: {  	s8 =	sadd.s32 $0xFFFFE003, lr  }
0x1b: {  	s9 =	sadd.s32 $0xFFFFFEF7, lr;
	s5 =	simm.s32 $0xFFFFFFFF;
	p2 =	slt.u32 s8, $0xFFFFF086  }
0x1c: {  	p1 =	slt.u32 s9, $0xF7A;
	s5 =	simm.s32 @!p2 $0x0  }
0x1d: {  	s5 =	simm.s32 @p1 $0x1;
	p0 =	seq.s32 s7, s2  }
0x1e: {  	s7 =	smul.u32 @!p0 $0xF7A, s2;
	p2 =	seq.s32 @!p0 s5, $0x0  }
0x1f: {  	s9 =	smul.u32 $0xF7A, s1;
	s8 =	simm.s32 @!p0 $0x1BF5;
	p2 =	por !p2, p0  }
0x20: {  	[sflag:s8] =	ssyncset.s32 @!p0 $0xFFFFF086;
	s6 =	sadd.s32 @!p0 s3, s7;
	s7 =	simm.s32 @!p0 $0x108  }
0x21: {  	s3 =	sadd.s32 s3, s9;
	s6 =	sadd.s32 @!p0 $0x88, s6;
	s7 =	simm.s32 @p2 $0x1082  }
0x22: {  	[simem:s7], [sflag:s8] =	dma.local @!p0 [hbm:s6], $0xF7A  }
0x23: {  	s9 =	sor.u32 $0xD0000000, s2;
	s6 =	simm.s32 $0x108;
	_ =	swait.ge @!p0 [sflag:s8], $0x0  }
0x24: {  	s3 =	sadd.s32 $0x88, s3;
	s6 =	simm.s32 @!p1 $0x1082;
	[sflag:s4] =	ssyncset.s32 $0xFFFFF086  }
0x25: {  	[simem:s6], [sflag:s4] =	dma.local [hbm:s3], $0xF7A  }
0x26: {  	[smem:$0x3F9F] =	sst s1;
	(tag) =	ssettag s2;
	_ =	strace s9  }
0x27: {  	s1 =	sld [smem:$0x3FAF]  }
0x28: {  	s2 =	sld [smem:$0x3FB0]  }
0x29: {  	s4 =	sld [smem:$0x3FB2]  }
0x2a: {  	p0 =	seq.s32 s5, $0x0;
	s5 =	sld [smem:$0x3FB3]  }
0x2b: {  	s6 =	sld [smem:$0x3FB4]  }
0x2c: {  	s7 =	sld [smem:$0x3FB5]  }
0x2d: {  	s3 =	simm.s32 $0x108;
	s8 =	sld [smem:$0x3FB6]  }
0x2e: {  	s3 =	simm.s32 @!p0 $0x1082;
	s9 =	sld [smem:$0x3FB7]  }
0x2f: {  	lr =	sadd.s32 s0, s3;
	s0 =	sld [smem:$0x3FAE]  }
0x30: {  	s3 =	sld [smem:$0x3FB1]  }
0x31: {  	[smem:$0x3FBA] =	sst s10  }
0x32: {  	s10 =	sld [smem:$0x3FB8];
	_ =	sdelay $0x3  }
0x33: {  	p0 =	seq.s32 s10, $0x1;
	s10 =	sld [smem:$0x3FBA];
	_ =	sdelay $0x3  }
0x34: {  	[smem:$0x3FBA] =	sst s10  }
0x35: {  	s10 =	sld [smem:$0x3FB9];
	_ =	sdelay $0x3  }
0x36: {  	p1 =	seq.s32 s10, $0x1;
	s10 =	sld [smem:$0x3FBA];
	_ =	sdelay $0x3  }
0x37: {  	[smem:$0x3FBA] =	sst s10  }
0x38: {  	s10 =	sld [smem:$0x3FBB]  }
0x39: {  	_ = 	snop;
	(pc) =	sbr.ind lr, $3  }
0x3a: {  	_ = 	snop  }
0x3b: {  	_ = 	snop  }
0x3c: {  	p2 =	seq.s32 s10, $0x1;
	s10 =	sld [smem:$0x3FBA]  }
0x3d: {  	_ =	shalt  }
0x3e: {  	_ =	shalt  }
0x3f: {  	_ =	shalt  }
0x40: {  	_ =	shalt  }
0x41: {  	_ =	shalt  }
0x42: {  	_ =	shalt  }
0x43: {  	_ =	shalt  }
0x44: {  	_ =	shalt  }
0x45: {  	_ =	shalt  }
0x46: {  	_ =	shalt  }
0x47: {  	_ =	shalt  }
0x48: {  	_ =	shalt  }
0x49: {  	_ =	shalt  }
0x4a: {  	_ =	shalt  }
0x4b: {  	_ =	shalt  }
0x4c: {  	_ =	shalt  }
0x4d: {  	_ =	shalt  }
0x4e: {  	_ =	shalt  }
0x4f: {  	_ =	shalt  }
0x50: {  	_ =	shalt  }
0x51: {  	_ =	shalt  }
0x52: {  	_ =	shalt  }
0x53: {  	_ =	shalt  }
0x54: {  	_ =	shalt  }
0x55: {  	_ =	shalt  }
0x56: {  	_ =	shalt  }
0x57: {  	_ =	shalt  }
0x58: {  	_ =	shalt  }
0x59: {  	_ =	shalt  }
0x5a: {  	_ =	shalt  }
0x5b: {  	_ =	shalt  }
0x5c: {  	_ =	shalt  }
0x5d: {  	_ =	shalt  }
0x5e: {  	_ =	shalt  }
0x5f: {  	_ =	shalt  }
0x60: {  	_ =	shalt  }
0x61: {  	_ =	shalt  }
0x62: {  	_ =	shalt  }
0x63: {  	_ =	shalt  }
0x64: {  	_ =	shalt  }
0x65: {  	_ =	shalt  }
0x66: {  	_ =	shalt  }
0x67: {  	_ =	shalt  }
0x68: {  	_ =	shalt  }
0x69: {  	_ =	shalt  }
0x6a: {  	_ =	shalt  }
0x6b: {  	_ =	shalt  }
0x6c: {  	_ =	shalt  }
0x6d: {  	_ =	shalt  }
0x6e: {  	_ =	shalt  }
0x6f: {  	_ =	shalt  }
0x70: {  	_ =	shalt  }
0x71: {  	_ =	shalt  }
0x72: {  	_ =	shalt  }
0x73: {  	_ =	shalt  }
0x74: {  	_ =	shalt  }
0x75: {  	_ =	shalt  }
0x76: {  	_ =	shalt  }
0x77: {  	_ =	shalt  }
0x78: {  	_ =	shalt  }
0x79: {  	_ =	shalt  }
0x7a: {  	_ =	shalt  }
0x7b: {  	_ =	shalt  }
0x7c: {  	_ =	shalt  }
0x7d: {  	_ =	shalt  }
0x7e: {  	_ =	shalt  }
0x7f: {  	_ =	shalt  }
0x80: {  	_ =	shalt  }
0x81: {  	_ =	shalt  }
0x82: {  	_ =	shalt  }
0x83: {  	_ =	shalt  }
0x84: {  	_ =	shalt  }
0x85: {  	_ =	shalt  }
0x86: {  	_ =	shalt  }
0x87: {  	_ =	shalt  }
.Lfunc_end0:
.L_simem_size_0:
called_computation_lowered:
.L_overlay_start_0:
0x88: {  	s2 =	sld [smem:$0x3FD9]  }
0x89: {  	s3 =	sld [smem:$0x3FFE];
	_ =	sdelay $0x1  }
0x8a: {  	s1 =	srdreg.scid  }
0x8b: {  	s0 =	sand.u32 $0x1, s1  }
0x8c: {  	s17 =	sshll.u32 s0, $0xA;
	s2 =	sadd.s32 s3, s2  }
0x8d: {  	s2 =	sadd.s32 s2, s17  }
0x8e: {  	[smem:$0x3FC6] =	sst s2  }
0x8f: {  	_ = 	snop  }
0x90: {  	s2 =	sld [smem:$0x3FC8]  }
0x91: {  	s18 =	sld [smem:$0x3FD0];
	(tm) =	ssettm $0x1  }
0x92: {  	s4 =	sld [smem:$0x3FFB];
	_ =	sdelay $0x3  }
0x93: {  	_ =	strace s4  }
0x94: {  	s4 =	sld [smem:$0x3FFC];
	_ =	sdelay $0x3  }
0x95: {  	_ =	strace s4  }
0x96: {  	s4 =	sld [smem:$0x3FFD];
	_ =	sdelay $0x3  }
0x97: {  	_ =	strace s4  }
0x98: {  	_ =	strace $0x8FFFFFFF  }
0x99: {  	s19 =	sld [smem:$0x3FDB];
	_ =	sdelay $0x1  }
0x9a: {  	s5 =	simm.s32 $_scs_section_size  }
0x9b: {  	s6 =	simm.s32 $_size__tile_overlayer_lowered;
	s7 =	simm.s32 $_tile_overlayer_lowered  }
0x9c: {  	s22 =	simm.s32 $0x1BFF;
	s21 =	sshll.u32 s7, $0x1;
	s4 =	sadd.s32 s5, s19  }
0x9d: {  	s8 =	simm.s32 $0x0;
	s20 =	sshll.u32 s6, $0x1;
	s6 =	sadd.s32 s21, s4  }
0x9e: {  	[timem:s8], [sflag:s22] =	dma.local [hbm:s6], s20  }
0x9f: {  	_ =	swait.ge [sflag:s22], s20  }
0xa0: {  	s5 =	ssub.s32 $0x0, s20;
	[sflag:s22] =	ssyncset.done $0x0  }
0xa1: {  	[sflag:s22] =	ssyncadd.s32 s5;
	_ =	sdelay $0x1  }
0xa2: {  	s23 =	simm.s32 $0x1B8B  }
0xa3: {  	_ =	swait.ge [sflag:s23], $0x1  }
0xa4: {  	[sflag:s23] =	ssyncset.done $0x0  }
0xa5: {  	s25 =	simm.s32 $0x1B8E;
	s24 =	sld [smem:$0x3FFE];
	[sflag:s23] =	ssyncadd.s32 $0xFFFFFFFF  }
0xa6: {  	s26 =	simm.s32 $execute0_lowered;
	[smem:$0x3FD2] =	sst s25  }
0xa7: {  	s6 =	sshll.u32 s26, $0x1;
	_ =	strace $0x80000046;
	[dreg:$0x1] =	wrdreg $0xFFFFFFFF  }
0xa8: {  	s28 =	simm.s32 $_size_execute0_lowered;
	s4 =	sadd.s32 s4, s6;
	[dreg:$0x0] =	wrdreg $0x0  }
0xa9: {  	s6 =	sshll.u32 s28, $0x1;
	[dreg:$0x2] =	wrdreg s4  }
0xaa: {  	[dreg:$0x3] =	wrdreg s6  }
0xab: {  	[dreg:$0x4] =	wrdreg $0xC0  }
0xac: {  	_ =	task [dreg:s8], $0x5FFFF  }
0xad: {  	[dreg:$0x1] =	wrdreg $0xFFFFFFFF  }
0xae: {  	[dreg:$0x0] =	wrdreg $0x60  }
0xaf: {  	[dreg:$0x2] =	wrdreg s24  }
0xb0: {  	[dreg:$0x3] =	wrdreg s2  }
0xb1: {  	[dreg:$0x4] =	wrdreg s18  }
0xb2: {  	[dreg:$0x5] =	wrdreg $0x9  }
0xb3: {  	_ =	task.clear_ibuf [dreg:s8], $0x6FFFF;
	_ =	strace $0x90000046  }
0xb4: {  	s29 =	simm.s32 $0x9;
	_ =	strace $0x80000048  }
0xb5: {  	_ =	swait.ge [sflag:s29], $0x1  }
0xb6: {  	[sflag:s29] =	ssyncadd.s32 $0xFFFFFFFF  }
0xb7: {  	_ =	strace $0x90000048  }
0xb8: {  	_ =	sfence  }
0xb9: {  	s30 =	sld [smem:$0x0];
	_ =	sdelay $0x2  }
0xba: {  	s31 =	sshll.u32 s1, $0xD;
	s1 =	sshrl.u32 s1, $0x2  }
0xbb: {  	s3 =	sand.u32 $0x4000, s31;
	s1 =	sadd.s32 s1, s30  }
0xbc: {  	s0 =	sor.u32 s3, s0;
	s1 =	sshll.u32 s1, $0x11  }
0xbd: {  	s0 =	sor.u32 s1, s0  }
0xbe: {  	s0 =	sadd.s32 $0x8F2B, s0  }
0xbf: {  	[sflag:s0] =	ssyncadd.remote.s32 $0x1  }
0xc0: {  	_ =	sfence.sel $0xFFFF  }
0xc1: {  	[dreg:$0x0] =	wrdreg $0xFFFFFFFF;
	(pc) =	sbr.abs _section_cstart, $3  }
0xc2: {  	[dreg:$0x1] =	wrdreg $0xFFFFFFFF  }
0xc3: {  	_ =	task.clear_ibuf [dreg:s8], $0x2FFFF;
	_ =	strace $0x9FFFFFFF  }
0xc4: {  	(tm) =	ssettm $0x7FFFFFFF  }
0xc5: {  	_ =	shalt  }
tec
execute0_lowered:
.L_overlay_start_1:
0x0: {  	(tag) =	ssettag $0x1  }
0x1: {  	s0 =	rddreg [dreg:$0x0]  }
0x2: {  	s19 =	rddreg [dreg:$0x2];
	s4 =	srdreg.scid;
	s3 =	simm.s32 $0x0  }
0x3: {  	s1 =	stileid.u32;
	s24 =	simm.s32 $0x1;
	s28 =	simm.s32 $0x3  }
0x4: {  	s29 =	simm.s32 $0x0;
	s20 =	sand.u32 $0x1, s4;
	[smem:$0x7FF] =	sst s3  }
0x5: {  	s26 =	sshll.u32 s1, $0x9;
	s31 =	sshll.u32 s1, $0x11;
	s5 =	sshll.u32 s20, $0x8  }
0x6: {  	_ =	strace $0x80000047;
	s6 =	ssub.s32 $0x2, s20;
	s22 =	sshll.u32 s20, $0x10  }
0x7: {  	s4 =	sor.u32 s5, s26;
	s30 =	sshrl.u32 s6, $0x1;
	s26 =	simm.s32 $0x2  }
0x8: {  	s5 =	sshrl.u32 s4, $0x3;
	s4 =	sshll.u32 s4, $0x8;
	s21 =	ssub.s32 s6, s30  }
0x9: {  	s0 =	sadd.s32 s5, s0;
	s4 =	sadd.s32 s19, s4;
	s21 =	smax.u32 s21, $0x1  }
0xa: {  	s5 =	sadd.s32 $0x400, s0;
	s6 =	sadd.s32 $0x10, s4;
	s7 =	sadd.s32 $0x20, s4  }
0xb: {  	s8 =	sadd.s32 $0x30, s4;
	s9 =	sadd.s32 $0x40, s4;
	s10 =	sadd.s32 $0x50, s4  }
0xc: {  	s11 =	sadd.s32 $0x60, s4;
	s12 =	sadd.s32 $0x70, s4;
	s13 =	sadd.s32 $0x800, s4  }
0xd: {  	s14 =	sadd.s32 $0x810, s4;
	s15 =	sadd.s32 $0x820, s4;
	s16 =	sadd.s32 $0x830, s4  }
0xe: {  	s17 =	sadd.s32 $0x840, s4;
	s18 =	sadd.s32 $0x850, s4;
	s0 =	sadd.s32 s31, s19  }
0xf: {  	s19 =	sadd.s32 $0x860, s4;
	s20 =	sadd.s32 $0x870, s4;
	s0 =	sadd.s32 s22, s0  }
0x10: {  	s25 =	sadd.s32 $0x80, s4;
	s22 =	simm.s32 $0x4;
	[dreg:$0x4] =	wrdreg s0  }
.LBB2_1:
0x11: {  	[tilespmem:s3], [sflag:$0x4] =	stream.linear.gather [hbm4b:s5+s3], $0x100, $0x38;
	[tilespmem:$0x8100] =	vst v63  }
0x12: {  	_ =	swait.ge [sflag:s22], $0x100  }
0x13: {  	[sflag:s22] =	ssyncset.done $0x0  }
0x14: {  	[sflag:s22] =	ssyncadd.s32 $0xFFFFFF00  }
0x15: {  	s1 =	simm.s32 $0x100;
	s0 =	rddreg [dreg:$0x1]  }
0x16: {  	[tilespmem:s1], [sflag:$0x1] =	stream.linear.gather [hbm4b:s0+s3], $0x8000, $0x38;
	[tilespmem:$0x8100] =	vst v63  }
0x17: {  	_ =	swait.ge [sflag:s24], $0x8000  }
0x18: {  	[sflag:s24] =	ssyncset.done $0x0  }
0x19: {  	[sflag:s24] =	ssyncadd.s32 $0xFFFF8000  }
0x1a: {  	v0 =	vld [tilespmem:$0x0];
	_ =	sdelay $0x4  }
0x1b: {  	(v2sf) =	vpush v0, $0x0;
	_ =	sdelay $0xe  }
0x1c: {  	s23 =	spop (v2sf)  }
0x1d: {  	s30 =	sshll.u32 s23, $0xB;
	s0 =	sshll.u32 s23, $0x7  }
0x1e: {  	s30 =	sand.u32 $0xFFFFC000, s30;
	s0 =	sand.u32 $0x380, s0  }
0x1f: {  	s0 =	sor.u32 s0, s30  }
0x20: {  	s30 =	sadd.s32 $0x100, s0  }
0x21: {  	[hbm4b:s4+s3] =	stream.linear.scatter [tilespmem:s30], [sflag:$0x2], $0x80, $0x38;
	[tilespmem:$0x8100] =	vst v63  }
0x22: {  	s30 =	sadd.s32 $0x500, s0  }
0x23: {  	[hbm4b:s25+s3] =	stream.linear.scatter [tilespmem:s30], [sflag:$0x2], $0x80, $0x38;
	[tilespmem:$0x8100] =	vst v63  }
0x24: {  	s31 =	sadd.s32 $0x100, s4;
	s30 =	sadd.s32 $0x900, s0  }
0x25: {  	[hbm4b:s31+s3] =	stream.linear.scatter [tilespmem:s30], [sflag:$0x2], $0x80, $0x38;
	[tilespmem:$0x8100] =	vst v63  }
0x26: {  	s30 =	sadd.s32 $0xD00, s0;
	s31 =	sadd.s32 $0x180, s4  }
0x27: {  	[hbm4b:s31+s3] =	stream.linear.scatter [tilespmem:s30], [sflag:$0x2], $0x80, $0x38;
	[tilespmem:$0x8100] =	vst v63  }
0x28: {  	s30 =	sadd.s32 $0x1100, s0;
	s31 =	sadd.s32 $0x200, s4  }
0x29: {  	[hbm4b:s31+s3] =	stream.linear.scatter [tilespmem:s30], [sflag:$0x2], $0x80, $0x38;
	[tilespmem:$0x8100] =	vst v63  }
0x2a: {  	s30 =	sadd.s32 $0x1500, s0;
	s31 =	sadd.s32 $0x280, s4  }
0x2b: {  	[hbm4b:s31+s3] =	stream.linear.scatter [tilespmem:s30], [sflag:$0x2], $0x80, $0x38;
	[tilespmem:$0x8100] =	vst v63  }
0x2c: {  	s30 =	sadd.s32 $0x1900, s0;
	s31 =	sadd.s32 $0x300, s4  }
0x2d: {  	[hbm4b:s31+s3] =	stream.linear.scatter [tilespmem:s30], [sflag:$0x2], $0x80, $0x38;
	[tilespmem:$0x8100] =	vst v63  }
0x2e: {  	s30 =	sadd.s32 $0x1D00, s0;
	s31 =	sadd.s32 $0x380, s4  }
0x2f: {  	(v2sf) =	vpush v0, $0x1;
	[hbm4b:s31+s3] =	stream.linear.scatter [tilespmem:s30], [sflag:$0x2], $0x80, $0x38;
	[tilespmem:$0x8100] =	vst v63  }
0x30: {  	s30 =	sadd.s32 $0x2100, s0;
	s31 =	sadd.s32 $0x400, s4  }
0x31: {  	[hbm4b:s31+s3] =	stream.linear.scatter [tilespmem:s30], [sflag:$0x2], $0x80, $0x38;
	[tilespmem:$0x8100] =	vst v63  }
0x32: {  	s30 =	sadd.s32 $0x2500, s0;
	s31 =	sadd.s32 $0x480, s4  }
0x33: {  	[hbm4b:s31+s3] =	stream.linear.scatter [tilespmem:s30], [sflag:$0x2], $0x80, $0x38;
	[tilespmem:$0x8100] =	vst v63  }
0x34: {  	s30 =	sadd.s32 $0x2900, s0;
	s31 =	sadd.s32 $0x500, s4  }
0x35: {  	[hbm4b:s31+s3] =	stream.linear.scatter [tilespmem:s30], [sflag:$0x2], $0x80, $0x38;
	[tilespmem:$0x8100] =	vst v63  }
0x36: {  	s30 =	sadd.s32 $0x2D00, s0;
	s31 =	sadd.s32 $0x580, s4  }
0x37: {  	[hbm4b:s31+s3] =	stream.linear.scatter [tilespmem:s30], [sflag:$0x2], $0x80, $0x38;
	[tilespmem:$0x8100] =	vst v63  }
0x38: {  	s30 =	sadd.s32 $0x3100, s0;
	s31 =	sadd.s32 $0x600, s4  }
0x39: {  	[hbm4b:s31+s3] =	stream.linear.scatter [tilespmem:s30], [sflag:$0x2], $0x80, $0x38;
	[tilespmem:$0x8100] =	vst v63  }
0x3a: {  	s30 =	sadd.s32 $0x3500, s0;
	s31 =	sadd.s32 $0x680, s4  }
0x3b: {  	[hbm4b:s31+s3] =	stream.linear.scatter [tilespmem:s30], [sflag:$0x2], $0x80, $0x38;
	[tilespmem:$0x8100] =	vst v63  }
0x3c: {  	s30 =	sadd.s32 $0x3900, s0;
	s31 =	sadd.s32 $0x700, s4  }
0x3d: {  	[hbm4b:s31+s3] =	stream.linear.scatter [tilespmem:s30], [sflag:$0x2], $0x80, $0x38;
	[tilespmem:$0x8100] =	vst v63  }
0x3e: {  	s1 =	spop (v2sf);
	s0 =	sadd.s32 $0x3D00, s0;
	s30 =	sadd.s32 $0x780, s4  }
0x3f: {  	[hbm4b:s30+s3] =	stream.linear.scatter [tilespmem:s0], [sflag:$0x2], $0x80, $0x38;
	[tilespmem:$0x8100] =	vst v63  }
0x40: {  	s30 =	sshll.u32 s1, $0xB;
	s0 =	sshll.u32 s1, $0x7  }
0x41: {  	s30 =	sand.u32 $0xFFFFC000, s30;
	s0 =	sand.u32 $0x380, s0  }
0x42: {  	s0 =	sor.u32 s0, s30  }
0x43: {  	s30 =	sadd.s32 $0x100, s0  }
0x44: {  	[hbm4b:s6+s3] =	stream.linear.scatter [tilespmem:s30], [sflag:$0x2], $0x80, $0x38;
	[tilespmem:$0x8100] =	vst v63  }
0x45: {  	s31 =	sadd.s32 $0x80, s6;
	s30 =	sadd.s32 $0x500, s0  }
0x46: {  	[hbm4b:s31+s3] =	stream.linear.scatter [tilespmem:s30], [sflag:$0x2], $0x80, $0x38;
	[tilespmem:$0x8100] =	vst v63  }
0x47: {  	s30 =	sadd.s32 $0x900, s0;
	s31 =	sadd.s32 $0x100, s6  }
0x48: {  	[hbm4b:s31+s3] =	stream.linear.scatter [tilespmem:s30], [sflag:$0x2], $0x80, $0x38;
	[tilespmem:$0x8100] =	vst v63  }
0x49: {  	s30 =	sadd.s32 $0xD00, s0;
	s31 =	sadd.s32 $0x180, s6  }
0x4a: {  	[hbm4b:s31+s3] =	stream.linear.scatter [tilespmem:s30], [sflag:$0x2], $0x80, $0x38;
	[tilespmem:$0x8100] =	vst v63  }
0x4b: {  	s30 =	sadd.s32 $0x1100, s0;
	s31 =	sadd.s32 $0x200, s6  }
0x4c: {  	[hbm4b:s31+s3] =	stream.linear.scatter [tilespmem:s30], [sflag:$0x2], $0x80, $0x38;
	[tilespmem:$0x8100] =	vst v63  }
0x4d: {  	s30 =	sadd.s32 $0x1500, s0;
	s31 =	sadd.s32 $0x280, s6  }
0x4e: {  	[hbm4b:s31+s3] =	stream.linear.scatter [tilespmem:s30], [sflag:$0x2], $0x80, $0x38;
	[tilespmem:$0x8100] =	vst v63  }
0x4f: {  	s30 =	sadd.s32 $0x1900, s0;
	s31 =	sadd.s32 $0x300, s6  }
0x50: {  	[hbm4b:s31+s3] =	stream.linear.scatter [tilespmem:s30], [sflag:$0x2], $0x80, $0x38;
	[tilespmem:$0x8100] =	vst v63  }
0x51: {  	s30 =	sadd.s32 $0x1D00, s0;
	s31 =	sadd.s32 $0x380, s6  }
0x52: {  	(v2sf) =	vpush v0, $0x2;
	[hbm4b:s31+s3] =	stream.linear.scatter [tilespmem:s30], [sflag:$0x2], $0x80, $0x38;
	[tilespmem:$0x8100] =	vst v63  }
0x53: {  	s30 =	sadd.s32 $0x2100, s0;
	s31 =	sadd.s32 $0x400, s6  }
0x54: {  	[hbm4b:s31+s3] =	stream.linear.scatter [tilespmem:s30], [sflag:$0x2], $0x80, $0x38;
	[tilespmem:$0x8100] =	vst v63  }
0x55: {  	s30 =	sadd.s32 $0x2500, s0;
	s31 =	sadd.s32 $0x480, s6  }
0x56: {  	[hbm4b:s31+s3] =	stream.linear.scatter [tilespmem:s30], [sflag:$0x2], $0x80, $0x38;
	[tilespmem:$0x8100] =	vst v63  }
0x57: {  	s30 =	sadd.s32 $0x2900, s0;
	s31 =	sadd.s32 $0x500, s6  }
0x58: {  	[hbm4b:s31+s3] =	stream.linear.scatter [tilespmem:s30], [sflag:$0x2], $0x80, $0x38;
	[tilespmem:$0x8100] =	vst v63  }
0x59: {  	s30 =	sadd.s32 $0x2D00, s0;
	s31 =	sadd.s32 $0x580, s6  }
0x5a: {  	[hbm4b:s31+s3] =	stream.linear.scatter [tilespmem:s30], [sflag:$0x2], $0x80, $0x38;
	[tilespmem:$0x8100] =	vst v63  }
0x5b: {  	s30 =	sadd.s32 $0x3100, s0;
	s31 =	sadd.s32 $0x600, s6  }
0x5c: {  	[hbm4b:s31+s3] =	stream.linear.scatter [tilespmem:s30], [sflag:$0x2], $0x80, $0x38;
	[tilespmem:$0x8100] =	vst v63  }
0x5d: {  	s30 =	sadd.s32 $0x3500, s0;
	s31 =	sadd.s32 $0x680, s6  }
0x5e: {  	[hbm4b:s31+s3] =	stream.linear.scatter [tilespmem:s30], [sflag:$0x2], $0x80, $0x38;
	[tilespmem:$0x8100] =	vst v63  }
0x5f: {  	s30 =	sadd.s32 $0x3900, s0;
	s31 =	sadd.s32 $0x700, s6  }
0x60: {  	[hbm4b:s31+s3] =	stream.linear.scatter [tilespmem:s30], [sflag:$0x2], $0x80, $0x38;
	[tilespmem:$0x8100] =	vst v63  }
0x61: {  	s2 =	spop (v2sf);
	s0 =	sadd.s32 $0x3D00, s0;
	s30 =	sadd.s32 $0x780, s6  }
0x62: {  	[hbm4b:s30+s3] =	stream.linear.scatter [tilespmem:s0], [sflag:$0x2], $0x80, $0x38;
	[tilespmem:$0x8100] =	vst v63  }
0x63: {  	s30 =	sshll.u32 s2, $0xB;
	s0 =	sshll.u32 s2, $0x7  }
0x64: {  	s30 =	sand.u32 $0xFFFFC000, s30;
	s0 =	sand.u32 $0x380, s0  }
0x65: {  	s0 =	sor.u32 s0, s30  }
0x66: {  	s30 =	sadd.s32 $0x100, s0  }
0x67: {  	[hbm4b:s7+s3] =	stream.linear.scatter [tilespmem:s30], [sflag:$0x2], $0x80, $0x38;
	[tilespmem:$0x8100] =	vst v63  }
0x68: {  	s31 =	sadd.s32 $0x80, s7;
	s30 =	sadd.s32 $0x500, s0  }
0x69: {  	[hbm4b:s31+s3] =	stream.linear.scatter [tilespmem:s30], [sflag:$0x2], $0x80, $0x38;
	[tilespmem:$0x8100] =	vst v63  }
0x6a: {  	s30 =	sadd.s32 $0x900, s0;
	s31 =	sadd.s32 $0x100, s7  }
0x6b: {  	[hbm4b:s31+s3] =	stream.linear.scatter [tilespmem:s30], [sflag:$0x2], $0x80, $0x38;
	[tilespmem:$0x8100] =	vst v63  }
0x6c: {  	s30 =	sadd.s32 $0xD00, s0;
	s31 =	sadd.s32 $0x180, s7  }
0x6d: {  	[hbm4b:s31+s3] =	stream.linear.scatter [tilespmem:s30], [sflag:$0x2], $0x80, $0x38;
	[tilespmem:$0x8100] =	vst v63  }
0x6e: {  	s30 =	sadd.s32 $0x1100, s0;
	s31 =	sadd.s32 $0x200, s7  }
0x6f: {  	[hbm4b:s31+s3] =	stream.linear.scatter [tilespmem:s30], [sflag:$0x2], $0x80, $0x38;
	[tilespmem:$0x8100] =	vst v63  }
0x70: {  	s30 =	sadd.s32 $0x1500, s0;
	s31 =	sadd.s32 $0x280, s7  }
0x71: {  	[hbm4b:s31+s3] =	stream.linear.scatter [tilespmem:s30], [sflag:$0x2], $0x80, $0x38;
	[tilespmem:$0x8100] =	vst v63  }
0x72: {  	s30 =	sadd.s32 $0x1900, s0;
	s31 =	sadd.s32 $0x300, s7  }
0x73: {  	[hbm4b:s31+s3] =	stream.linear.scatter [tilespmem:s30], [sflag:$0x2], $0x80, $0x38;
	[tilespmem:$0x8100] =	vst v63  }
0x74: {  	s30 =	sadd.s32 $0x1D00, s0;
	s31 =	sadd.s32 $0x380, s7  }
0x75: {  	(v2sf) =	vpush v0, $0x3;
	[hbm4b:s31+s3] =	stream.linear.scatter [tilespmem:s30], [sflag:$0x2], $0x80, $0x38;
	[tilespmem:$0x8100] =	vst v63  }
0x76: {  	s30 =	sadd.s32 $0x2100, s0;
	s31 =	sadd.s32 $0x400, s7  }
0x77: {  	[hbm4b:s31+s3] =	stream.linear.scatter [tilespmem:s30], [sflag:$0x2], $0x80, $0x38;
	[tilespmem:$0x8100] =	vst v63  }
0x78: {  	s30 =	sadd.s32 $0x2500, s0;
	s31 =	sadd.s32 $0x480, s7  }
0x79: {  	[hbm4b:s31+s3] =	stream.linear.scatter [tilespmem:s30], [sflag:$0x2], $0x80, $0x38;
	[tilespmem:$0x8100] =	vst v63  }
0x7a: {  	s30 =	sadd.s32 $0x2900, s0;
	s31 =	sadd.s32 $0x500, s7  }
0x7b: {  	[hbm4b:s31+s3] =	stream.linear.scatter [tilespmem:s30], [sflag:$0x2], $0x80, $0x38;
	[tilespmem:$0x8100] =	vst v63  }
0x7c: {  	s30 =	sadd.s32 $0x2D00, s0;
	s31 =	sadd.s32 $0x580, s7  }
0x7d: {  	[hbm4b:s31+s3] =	stream.linear.scatter [tilespmem:s30], [sflag:$0x2], $0x80, $0x38;
	[tilespmem:$0x8100] =	vst v63  }
0x7e: {  	s30 =	sadd.s32 $0x3100, s0;
	s31 =	sadd.s32 $0x600, s7  }
0x7f: {  	[hbm4b:s31+s3] =	stream.linear.scatter [tilespmem:s30], [sflag:$0x2], $0x80, $0x38;
	[tilespmem:$0x8100] =	vst v63  }
0x80: {  	s30 =	sadd.s32 $0x3500, s0;
	s31 =	sadd.s32 $0x680, s7  }
0x81: {  	[hbm4b:s31+s3] =	stream.linear.scatter [tilespmem:s30], [sflag:$0x2], $0x80, $0x38;
	[tilespmem:$0x8100] =	vst v63  }
0x82: {  	s30 =	sadd.s32 $0x3900, s0;
	s31 =	sadd.s32 $0x700, s7  }
0x83: {  	[hbm4b:s31+s3] =	stream.linear.scatter [tilespmem:s30], [sflag:$0x2], $0x80, $0x38;
	[tilespmem:$0x8100] =	vst v63  }
0x84: {  	s23 =	spop (v2sf);
	s0 =	sadd.s32 $0x3D00, s0;
	s30 =	sadd.s32 $0x780, s7  }
0x85: {  	[hbm4b:s30+s3] =	stream.linear.scatter [tilespmem:s0], [sflag:$0x2], $0x80, $0x38;
	[tilespmem:$0x8100] =	vst v63  }
0x86: {  	s30 =	sshll.u32 s23, $0xB;
	s0 =	sshll.u32 s23, $0x7  }
0x87: {  	s30 =	sand.u32 $0xFFFFC000, s30;
	s0 =	sand.u32 $0x380, s0  }
0x88: {  	s0 =	sor.u32 s0, s30  }
0x89: {  	s30 =	sadd.s32 $0x100, s0  }
0x8a: {  	[hbm4b:s8+s3] =	stream.linear.scatter [tilespmem:s30], [sflag:$0x2], $0x80, $0x38;
	[tilespmem:$0x8100] =	vst v63  }
0x8b: {  	s31 =	sadd.s32 $0x80, s8;
	s30 =	sadd.s32 $0x500, s0  }
0x8c: {  	[hbm4b:s31+s3] =	stream.linear.scatter [tilespmem:s30], [sflag:$0x2], $0x80, $0x38;
	[tilespmem:$0x8100] =	vst v63  }
0x8d: {  	s30 =	sadd.s32 $0x900, s0;
	s31 =	sadd.s32 $0x100, s8  }
0x8e: {  	[hbm4b:s31+s3] =	stream.linear.scatter [tilespmem:s30], [sflag:$0x2], $0x80, $0x38;
	[tilespmem:$0x8100] =	vst v63  }
0x8f: {  	s30 =	sadd.s32 $0xD00, s0;
	s31 =	sadd.s32 $0x180, s8  }
0x90: {  	[hbm4b:s31+s3] =	stream.linear.scatter [tilespmem:s30], [sflag:$0x2], $0x80, $0x38;
	[tilespmem:$0x8100] =	vst v63  }
0x91: {  	s30 =	sadd.s32 $0x1100, s0;
	s31 =	sadd.s32 $0x200, s8  }
0x92: {  	[hbm4b:s31+s3] =	stream.linear.scatter [tilespmem:s30], [sflag:$0x2], $0x80, $0x38;
	[tilespmem:$0x8100] =	vst v63  }
0x93: {  	s30 =	sadd.s32 $0x1500, s0;
	s31 =	sadd.s32 $0x280, s8  }
0x94: {  	[hbm4b:s31+s3] =	stream.linear.scatter [tilespmem:s30], [sflag:$0x2], $0x80, $0x38;
	[tilespmem:$0x8100] =	vst v63  }
0x95: {  	s30 =	sadd.s32 $0x1900, s0;
	s31 =	sadd.s32 $0x300, s8  }
0x96: {  	[hbm4b:s31+s3] =	stream.linear.scatter [tilespmem:s30], [sflag:$0x2], $0x80, $0x38;
	[tilespmem:$0x8100] =	vst v63  }
0x97: {  	s30 =	sadd.s32 $0x1D00, s0;
	s31 =	sadd.s32 $0x380, s8  }
0x98: {  	(v2sf) =	vpush v0, $0x4;
	[hbm4b:s31+s3] =	stream.linear.scatter [tilespmem:s30], [sflag:$0x2], $0x80, $0x38;
	[tilespmem:$0x8100] =	vst v63  }
0x99: {  	s30 =	sadd.s32 $0x2100, s0;
	s31 =	sadd.s32 $0x400, s8  }
0x9a: {  	[hbm4b:s31+s3] =	stream.linear.scatter [tilespmem:s30], [sflag:$0x2], $0x80, $0x38;
	[tilespmem:$0x8100] =	vst v63  }
0x9b: {  	s30 =	sadd.s32 $0x2500, s0;
	s31 =	sadd.s32 $0x480, s8  }
0x9c: {  	[hbm4b:s31+s3] =	stream.linear.scatter [tilespmem:s30], [sflag:$0x2], $0x80, $0x38;
	[tilespmem:$0x8100] =	vst v63  }
0x9d: {  	s30 =	sadd.s32 $0x2900, s0;
	s31 =	sadd.s32 $0x500, s8  }
0x9e: {  	[hbm4b:s31+s3] =	stream.linear.scatter [tilespmem:s30], [sflag:$0x2], $0x80, $0x38;
	[tilespmem:$0x8100] =	vst v63  }
0x9f: {  	s30 =	sadd.s32 $0x2D00, s0;
	s31 =	sadd.s32 $0x580, s8  }
0xa0: {  	[hbm4b:s31+s3] =	stream.linear.scatter [tilespmem:s30], [sflag:$0x2], $0x80, $0x38;
	[tilespmem:$0x8100] =	vst v63  }
0xa1: {  	s30 =	sadd.s32 $0x3100, s0;
	s31 =	sadd.s32 $0x600, s8  }
0xa2: {  	[hbm4b:s31+s3] =	stream.linear.scatter [tilespmem:s30], [sflag:$0x2], $0x80, $0x38;
	[tilespmem:$0x8100] =	vst v63  }
0xa3: {  	s30 =	sadd.s32 $0x3500, s0;
	s31 =	sadd.s32 $0x680, s8  }
0xa4: {  	[hbm4b:s31+s3] =	stream.linear.scatter [tilespmem:s30], [sflag:$0x2], $0x80, $0x38;
	[tilespmem:$0x8100] =	vst v63  }
0xa5: {  	s30 =	sadd.s32 $0x3900, s0;
	s31 =	sadd.s32 $0x700, s8  }
0xa6: {  	[hbm4b:s31+s3] =	stream.linear.scatter [tilespmem:s30], [sflag:$0x2], $0x80, $0x38;
	[tilespmem:$0x8100] =	vst v63  }
0xa7: {  	s1 =	spop (v2sf);
	s0 =	sadd.s32 $0x3D00, s0;
	s30 =	sadd.s32 $0x780, s8  }
0xa8: {  	[hbm4b:s30+s3] =	stream.linear.scatter [tilespmem:s0], [sflag:$0x2], $0x80, $0x38;
	[tilespmem:$0x8100] =	vst v63  }
0xa9: {  	s30 =	sshll.u32 s1, $0xB;
	s0 =	sshll.u32 s1, $0x7  }
0xaa: {  	s30 =	sand.u32 $0xFFFFC000, s30;
	s0 =	sand.u32 $0x380, s0  }
0xab: {  	s0 =	sor.u32 s0, s30  }
0xac: {  	s30 =	sadd.s32 $0x100, s0  }
0xad: {  	[hbm4b:s9+s3] =	stream.linear.scatter [tilespmem:s30], [sflag:$0x2], $0x80, $0x38;
	[tilespmem:$0x8100] =	vst v63  }
0xae: {  	s31 =	sadd.s32 $0x80, s9;
	s30 =	sadd.s32 $0x500, s0  }
0xaf: {  	[hbm4b:s31+s3] =	stream.linear.scatter [tilespmem:s30], [sflag:$0x2], $0x80, $0x38;
	[tilespmem:$0x8100] =	vst v63  }
0xb0: {  	s30 =	sadd.s32 $0x900, s0;
	s31 =	sadd.s32 $0x100, s9  }
0xb1: {  	[hbm4b:s31+s3] =	stream.linear.scatter [tilespmem:s30], [sflag:$0x2], $0x80, $0x38;
	[tilespmem:$0x8100] =	vst v63  }
0xb2: {  	s30 =	sadd.s32 $0xD00, s0;
	s31 =	sadd.s32 $0x180, s9  }
0xb3: {  	[hbm4b:s31+s3] =	stream.linear.scatter [tilespmem:s30], [sflag:$0x2], $0x80, $0x38;
	[tilespmem:$0x8100] =	vst v63  }
0xb4: {  	s30 =	sadd.s32 $0x1100, s0;
	s31 =	sadd.s32 $0x200, s9  }
0xb5: {  	[hbm4b:s31+s3] =	stream.linear.scatter [tilespmem:s30], [sflag:$0x2], $0x80, $0x38;
	[tilespmem:$0x8100] =	vst v63  }
0xb6: {  	s30 =	sadd.s32 $0x1500, s0;
	s31 =	sadd.s32 $0x280, s9  }
0xb7: {  	[hbm4b:s31+s3] =	stream.linear.scatter [tilespmem:s30], [sflag:$0x2], $0x80, $0x38;
	[tilespmem:$0x8100] =	vst v63  }
0xb8: {  	s30 =	sadd.s32 $0x1900, s0;
	s31 =	sadd.s32 $0x300, s9  }
0xb9: {  	[hbm4b:s31+s3] =	stream.linear.scatter [tilespmem:s30], [sflag:$0x2], $0x80, $0x38;
	[tilespmem:$0x8100] =	vst v63  }
0xba: {  	s30 =	sadd.s32 $0x1D00, s0;
	s31 =	sadd.s32 $0x380, s9  }
0xbb: {  	(v2sf) =	vpush v0, $0x5;
	[hbm4b:s31+s3] =	stream.linear.scatter [tilespmem:s30], [sflag:$0x2], $0x80, $0x38;
	[tilespmem:$0x8100] =	vst v63  }
0xbc: {  	s30 =	sadd.s32 $0x2100, s0;
	s31 =	sadd.s32 $0x400, s9  }
0xbd: {  	[hbm4b:s31+s3] =	stream.linear.scatter [tilespmem:s30], [sflag:$0x2], $0x80, $0x38;
	[tilespmem:$0x8100] =	vst v63  }
0xbe: {  	s30 =	sadd.s32 $0x2500, s0;
	s31 =	sadd.s32 $0x480, s9  }
0xbf: {  	[hbm4b:s31+s3] =	stream.linear.scatter [tilespmem:s30], [sflag:$0x2], $0x80, $0x38;
	[tilespmem:$0x8100] =	vst v63  }
0xc0: {  	s30 =	sadd.s32 $0x2900, s0;
	s31 =	sadd.s32 $0x500, s9  }
0xc1: {  	[hbm4b:s31+s3] =	stream.linear.scatter [tilespmem:s30], [sflag:$0x2], $0x80, $0x38;
	[tilespmem:$0x8100] =	vst v63  }
0xc2: {  	s30 =	sadd.s32 $0x2D00, s0;
	s31 =	sadd.s32 $0x580, s9  }
0xc3: {  	[hbm4b:s31+s3] =	stream.linear.scatter [tilespmem:s30], [sflag:$0x2], $0x80, $0x38;
	[tilespmem:$0x8100] =	vst v63  }
0xc4: {  	s30 =	sadd.s32 $0x3100, s0;
	s31 =	sadd.s32 $0x600, s9  }
0xc5: {  	[hbm4b:s31+s3] =	stream.linear.scatter [tilespmem:s30], [sflag:$0x2], $0x80, $0x38;
	[tilespmem:$0x8100] =	vst v63  }
0xc6: {  	s30 =	sadd.s32 $0x3500, s0;
	s31 =	sadd.s32 $0x680, s9  }
0xc7: {  	[hbm4b:s31+s3] =	stream.linear.scatter [tilespmem:s30], [sflag:$0x2], $0x80, $0x38;
	[tilespmem:$0x8100] =	vst v63  }
0xc8: {  	s30 =	sadd.s32 $0x3900, s0;
	s31 =	sadd.s32 $0x700, s9  }
0xc9: {  	[hbm4b:s31+s3] =	stream.linear.scatter [tilespmem:s30], [sflag:$0x2], $0x80, $0x38;
	[tilespmem:$0x8100] =	vst v63  }
0xca: {  	s2 =	spop (v2sf);
	s0 =	sadd.s32 $0x3D00, s0;
	s30 =	sadd.s32 $0x780, s9  }
0xcb: {  	[hbm4b:s30+s3] =	stream.linear.scatter [tilespmem:s0], [sflag:$0x2], $0x80, $0x38;
	[tilespmem:$0x8100] =	vst v63  }
0xcc: {  	s30 =	sshll.u32 s2, $0xB;
	s0 =	sshll.u32 s2, $0x7  }
0xcd: {  	s30 =	sand.u32 $0xFFFFC000, s30;
	s0 =	sand.u32 $0x380, s0  }
0xce: {  	s0 =	sor.u32 s0, s30  }
0xcf: {  	s30 =	sadd.s32 $0x100, s0  }
0xd0: {  	[hbm4b:s10+s3] =	stream.linear.scatter [tilespmem:s30], [sflag:$0x2], $0x80, $0x38;
	[tilespmem:$0x8100] =	vst v63  }
0xd1: {  	s31 =	sadd.s32 $0x80, s10;
	s30 =	sadd.s32 $0x500, s0  }
0xd2: {  	[hbm4b:s31+s3] =	stream.linear.scatter [tilespmem:s30], [sflag:$0x2], $0x80, $0x38;
	[tilespmem:$0x8100] =	vst v63  }
0xd3: {  	s30 =	sadd.s32 $0x900, s0;
	s31 =	sadd.s32 $0x100, s10  }
0xd4: {  	[hbm4b:s31+s3] =	stream.linear.scatter [tilespmem:s30], [sflag:$0x2], $0x80, $0x38;
	[tilespmem:$0x8100] =	vst v63  }
0xd5: {  	s30 =	sadd.s32 $0xD00, s0;
	s31 =	sadd.s32 $0x180, s10  }
0xd6: {  	[hbm4b:s31+s3] =	stream.linear.scatter [tilespmem:s30], [sflag:$0x2], $0x80, $0x38;
	[tilespmem:$0x8100] =	vst v63  }
0xd7: {  	s30 =	sadd.s32 $0x1100, s0;
	s31 =	sadd.s32 $0x200, s10  }
0xd8: {  	[hbm4b:s31+s3] =	stream.linear.scatter [tilespmem:s30], [sflag:$0x2], $0x80, $0x38;
	[tilespmem:$0x8100] =	vst v63  }
0xd9: {  	s30 =	sadd.s32 $0x1500, s0;
	s31 =	sadd.s32 $0x280, s10  }
0xda: {  	[hbm4b:s31+s3] =	stream.linear.scatter [tilespmem:s30], [sflag:$0x2], $0x80, $0x38;
	[tilespmem:$0x8100] =	vst v63  }
0xdb: {  	s30 =	sadd.s32 $0x1900, s0;
	s31 =	sadd.s32 $0x300, s10  }
0xdc: {  	[hbm4b:s31+s3] =	stream.linear.scatter [tilespmem:s30], [sflag:$0x2], $0x80, $0x38;
	[tilespmem:$0x8100] =	vst v63  }
0xdd: {  	s30 =	sadd.s32 $0x1D00, s0;
	s31 =	sadd.s32 $0x380, s10  }
0xde: {  	(v2sf) =	vpush v0, $0x6;
	[hbm4b:s31+s3] =	stream.linear.scatter [tilespmem:s30], [sflag:$0x2], $0x80, $0x38;
	[tilespmem:$0x8100] =	vst v63  }
0xdf: {  	s30 =	sadd.s32 $0x2100, s0;
	s31 =	sadd.s32 $0x400, s10  }
0xe0: {  	[hbm4b:s31+s3] =	stream.linear.scatter [tilespmem:s30], [sflag:$0x2], $0x80, $0x38;
	[tilespmem:$0x8100] =	vst v63  }
0xe1: {  	s30 =	sadd.s32 $0x2500, s0;
	s31 =	sadd.s32 $0x480, s10  }
0xe2: {  	[hbm4b:s31+s3] =	stream.linear.scatter [tilespmem:s30], [sflag:$0x2], $0x80, $0x38;
	[tilespmem:$0x8100] =	vst v63  }
0xe3: {  	s30 =	sadd.s32 $0x2900, s0;
	s31 =	sadd.s32 $0x500, s10  }
0xe4: {  	[hbm4b:s31+s3] =	stream.linear.scatter [tilespmem:s30], [sflag:$0x2], $0x80, $0x38;
	[tilespmem:$0x8100] =	vst v63  }
0xe5: {  	s30 =	sadd.s32 $0x2D00, s0;
	s31 =	sadd.s32 $0x580, s10  }
0xe6: {  	[hbm4b:s31+s3] =	stream.linear.scatter [tilespmem:s30], [sflag:$0x2], $0x80, $0x38;
	[tilespmem:$0x8100] =	vst v63  }
0xe7: {  	s30 =	sadd.s32 $0x3100, s0;
	s31 =	sadd.s32 $0x600, s10  }
0xe8: {  	[hbm4b:s31+s3] =	stream.linear.scatter [tilespmem:s30], [sflag:$0x2], $0x80, $0x38;
	[tilespmem:$0x8100] =	vst v63  }
0xe9: {  	s30 =	sadd.s32 $0x3500, s0;
	s31 =	sadd.s32 $0x680, s10  }
0xea: {  	[hbm4b:s31+s3] =	stream.linear.scatter [tilespmem:s30], [sflag:$0x2], $0x80, $0x38;
	[tilespmem:$0x8100] =	vst v63  }
0xeb: {  	s30 =	sadd.s32 $0x3900, s0;
	s31 =	sadd.s32 $0x700, s10  }
0xec: {  	[hbm4b:s31+s3] =	stream.linear.scatter [tilespmem:s30], [sflag:$0x2], $0x80, $0x38;
	[tilespmem:$0x8100] =	vst v63  }
0xed: {  	s23 =	spop (v2sf);
	s0 =	sadd.s32 $0x3D00, s0;
	s30 =	sadd.s32 $0x780, s10  }
0xee: {  	[hbm4b:s30+s3] =	stream.linear.scatter [tilespmem:s0], [sflag:$0x2], $0x80, $0x38;
	[tilespmem:$0x8100] =	vst v63  }
0xef: {  	s30 =	sshll.u32 s23, $0xB;
	s0 =	sshll.u32 s23, $0x7  }
0xf0: {  	s30 =	sand.u32 $0xFFFFC000, s30;
	s0 =	sand.u32 $0x380, s0  }
0xf1: {  	s0 =	sor.u32 s0, s30  }
0xf2: {  	s30 =	sadd.s32 $0x100, s0  }
0xf3: {  	[hbm4b:s11+s3] =	stream.linear.scatter [tilespmem:s30], [sflag:$0x2], $0x80, $0x38;
	[tilespmem:$0x8100] =	vst v63  }
0xf4: {  	s31 =	sadd.s32 $0x80, s11;
	s30 =	sadd.s32 $0x500, s0  }
0xf5: {  	[hbm4b:s31+s3] =	stream.linear.scatter [tilespmem:s30], [sflag:$0x2], $0x80, $0x38;
	[tilespmem:$0x8100] =	vst v63  }
0xf6: {  	s30 =	sadd.s32 $0x900, s0;
	s31 =	sadd.s32 $0x100, s11  }
0xf7: {  	[hbm4b:s31+s3] =	stream.linear.scatter [tilespmem:s30], [sflag:$0x2], $0x80, $0x38;
	[tilespmem:$0x8100] =	vst v63  }
0xf8: {  	s30 =	sadd.s32 $0xD00, s0;
	s31 =	sadd.s32 $0x180, s11  }
0xf9: {  	[hbm4b:s31+s3] =	stream.linear.scatter [tilespmem:s30], [sflag:$0x2], $0x80, $0x38;
	[tilespmem:$0x8100] =	vst v63  }
0xfa: {  	s30 =	sadd.s32 $0x1100, s0;
	s31 =	sadd.s32 $0x200, s11  }
0xfb: {  	[hbm4b:s31+s3] =	stream.linear.scatter [tilespmem:s30], [sflag:$0x2], $0x80, $0x38;
	[tilespmem:$0x8100] =	vst v63  }
0xfc: {  	s30 =	sadd.s32 $0x1500, s0;
	s31 =	sadd.s32 $0x280, s11  }
0xfd: {  	[hbm4b:s31+s3] =	stream.linear.scatter [tilespmem:s30], [sflag:$0x2], $0x80, $0x38;
	[tilespmem:$0x8100] =	vst v63  }
0xfe: {  	s30 =	sadd.s32 $0x1900, s0;
	s31 =	sadd.s32 $0x300, s11  }
0xff: {  	[hbm4b:s31+s3] =	stream.linear.scatter [tilespmem:s30], [sflag:$0x2], $0x80, $0x38;
	[tilespmem:$0x8100] =	vst v63  }
0x100: {  	s30 =	sadd.s32 $0x1D00, s0;
	s31 =	sadd.s32 $0x380, s11  }
0x101: {  	(v2sf) =	vpush v0, $0x7;
	[hbm4b:s31+s3] =	stream.linear.scatter [tilespmem:s30], [sflag:$0x2], $0x80, $0x38;
	[tilespmem:$0x8100] =	vst v63  }
0x102: {  	s30 =	sadd.s32 $0x2100, s0;
	s31 =	sadd.s32 $0x400, s11  }
0x103: {  	[hbm4b:s31+s3] =	stream.linear.scatter [tilespmem:s30], [sflag:$0x2], $0x80, $0x38;
	[tilespmem:$0x8100] =	vst v63  }
0x104: {  	s30 =	sadd.s32 $0x2500, s0;
	s31 =	sadd.s32 $0x480, s11  }
0x105: {  	[hbm4b:s31+s3] =	stream.linear.scatter [tilespmem:s30], [sflag:$0x2], $0x80, $0x38;
	[tilespmem:$0x8100] =	vst v63  }
0x106: {  	s30 =	sadd.s32 $0x2900, s0;
	s31 =	sadd.s32 $0x500, s11  }
0x107: {  	[hbm4b:s31+s3] =	stream.linear.scatter [tilespmem:s30], [sflag:$0x2], $0x80, $0x38;
	[tilespmem:$0x8100] =	vst v63  }
0x108: {  	s30 =	sadd.s32 $0x2D00, s0;
	s31 =	sadd.s32 $0x580, s11  }
0x109: {  	[hbm4b:s31+s3] =	stream.linear.scatter [tilespmem:s30], [sflag:$0x2], $0x80, $0x38;
	[tilespmem:$0x8100] =	vst v63  }
0x10a: {  	s30 =	sadd.s32 $0x3100, s0;
	s31 =	sadd.s32 $0x600, s11  }
0x10b: {  	[hbm4b:s31+s3] =	stream.linear.scatter [tilespmem:s30], [sflag:$0x2], $0x80, $0x38;
	[tilespmem:$0x8100] =	vst v63  }
0x10c: {  	s30 =	sadd.s32 $0x3500, s0;
	s31 =	sadd.s32 $0x680, s11  }
0x10d: {  	[hbm4b:s31+s3] =	stream.linear.scatter [tilespmem:s30], [sflag:$0x2], $0x80, $0x38;
	[tilespmem:$0x8100] =	vst v63  }
0x10e: {  	s30 =	sadd.s32 $0x3900, s0;
	s31 =	sadd.s32 $0x700, s11  }
0x10f: {  	[hbm4b:s31+s3] =	stream.linear.scatter [tilespmem:s30], [sflag:$0x2], $0x80, $0x38;
	[tilespmem:$0x8100] =	vst v63  }
0x110: {  	s1 =	spop (v2sf);
	s0 =	sadd.s32 $0x3D00, s0;
	s30 =	sadd.s32 $0x780, s11  }
0x111: {  	[hbm4b:s30+s3] =	stream.linear.scatter [tilespmem:s0], [sflag:$0x2], $0x80, $0x38;
	[tilespmem:$0x8100] =	vst v63  }
0x112: {  	s30 =	sshll.u32 s1, $0xB;
	s0 =	sshll.u32 s1, $0x7  }
0x113: {  	s30 =	sand.u32 $0xFFFFC000, s30;
	s0 =	sand.u32 $0x380, s0  }
0x114: {  	s0 =	sor.u32 s0, s30  }
0x115: {  	s30 =	sadd.s32 $0x100, s0  }
0x116: {  	[hbm4b:s12+s3] =	stream.linear.scatter [tilespmem:s30], [sflag:$0x2], $0x80, $0x38;
	[tilespmem:$0x8100] =	vst v63  }
0x117: {  	s31 =	sadd.s32 $0x80, s12;
	s30 =	sadd.s32 $0x500, s0  }
0x118: {  	[hbm4b:s31+s3] =	stream.linear.scatter [tilespmem:s30], [sflag:$0x2], $0x80, $0x38;
	[tilespmem:$0x8100] =	vst v63  }
0x119: {  	s30 =	sadd.s32 $0x900, s0;
	s31 =	sadd.s32 $0x100, s12  }
0x11a: {  	[hbm4b:s31+s3] =	stream.linear.scatter [tilespmem:s30], [sflag:$0x2], $0x80, $0x38;
	[tilespmem:$0x8100] =	vst v63  }
0x11b: {  	s30 =	sadd.s32 $0xD00, s0;
	s31 =	sadd.s32 $0x180, s12  }
0x11c: {  	[hbm4b:s31+s3] =	stream.linear.scatter [tilespmem:s30], [sflag:$0x2], $0x80, $0x38;
	[tilespmem:$0x8100] =	vst v63  }
0x11d: {  	s30 =	sadd.s32 $0x1100, s0;
	s31 =	sadd.s32 $0x200, s12  }
0x11e: {  	[hbm4b:s31+s3] =	stream.linear.scatter [tilespmem:s30], [sflag:$0x2], $0x80, $0x38;
	[tilespmem:$0x8100] =	vst v63  }
0x11f: {  	s30 =	sadd.s32 $0x1500, s0;
	s31 =	sadd.s32 $0x280, s12  }
0x120: {  	[hbm4b:s31+s3] =	stream.linear.scatter [tilespmem:s30], [sflag:$0x2], $0x80, $0x38;
	[tilespmem:$0x8100] =	vst v63  }
0x121: {  	s30 =	sadd.s32 $0x1900, s0;
	s31 =	sadd.s32 $0x300, s12  }
0x122: {  	[hbm4b:s31+s3] =	stream.linear.scatter [tilespmem:s30], [sflag:$0x2], $0x80, $0x38;
	[tilespmem:$0x8100] =	vst v63  }
0x123: {  	s30 =	sadd.s32 $0x1D00, s0;
	s31 =	sadd.s32 $0x380, s12  }
0x124: {  	[hbm4b:s31+s3] =	stream.linear.scatter [tilespmem:s30], [sflag:$0x2], $0x80, $0x38;
	[tilespmem:$0x8100] =	vst v63  }
0x125: {  	s30 =	sadd.s32 $0x2100, s0;
	s31 =	sadd.s32 $0x400, s12  }
0x126: {  	[hbm4b:s31+s3] =	stream.linear.scatter [tilespmem:s30], [sflag:$0x2], $0x80, $0x38;
	[tilespmem:$0x8100] =	vst v63  }
0x127: {  	s30 =	sadd.s32 $0x2500, s0;
	s31 =	sadd.s32 $0x480, s12  }
0x128: {  	[hbm4b:s31+s3] =	stream.linear.scatter [tilespmem:s30], [sflag:$0x2], $0x80, $0x38;
	[tilespmem:$0x8100] =	vst v63  }
0x129: {  	s30 =	sadd.s32 $0x2900, s0;
	s31 =	sadd.s32 $0x500, s12  }
0x12a: {  	[hbm4b:s31+s3] =	stream.linear.scatter [tilespmem:s30], [sflag:$0x2], $0x80, $0x38;
	[tilespmem:$0x8100] =	vst v63  }
0x12b: {  	s30 =	sadd.s32 $0x2D00, s0;
	s31 =	sadd.s32 $0x580, s12  }
0x12c: {  	[hbm4b:s31+s3] =	stream.linear.scatter [tilespmem:s30], [sflag:$0x2], $0x80, $0x38;
	[tilespmem:$0x8100] =	vst v63  }
0x12d: {  	s30 =	sadd.s32 $0x3100, s0;
	s31 =	sadd.s32 $0x600, s12  }
0x12e: {  	[hbm4b:s31+s3] =	stream.linear.scatter [tilespmem:s30], [sflag:$0x2], $0x80, $0x38;
	[tilespmem:$0x8100] =	vst v63  }
0x12f: {  	s30 =	sadd.s32 $0x3500, s0;
	s31 =	sadd.s32 $0x680, s12  }
0x130: {  	[hbm4b:s31+s3] =	stream.linear.scatter [tilespmem:s30], [sflag:$0x2], $0x80, $0x38;
	[tilespmem:$0x8100] =	vst v63  }
0x131: {  	s30 =	sadd.s32 $0x3900, s0;
	s31 =	sadd.s32 $0x700, s12  }
0x132: {  	[hbm4b:s31+s3] =	stream.linear.scatter [tilespmem:s30], [sflag:$0x2], $0x80, $0x38;
	[tilespmem:$0x8100] =	vst v63  }
0x133: {  	s0 =	sadd.s32 $0x3D00, s0;
	s30 =	sadd.s32 $0x780, s12  }
0x134: {  	[hbm4b:s30+s3] =	stream.linear.scatter [tilespmem:s0], [sflag:$0x2], $0x80, $0x38;
	[tilespmem:$0x8100] =	vst v63  }
0x135: {  	v63 =	vld [tilespmem:$0x0];
	_ =	sdelay $0x4  }
0x136: {  	(v2sf) =	vpush v63, $0x8;
	_ =	sdelay $0xe  }
0x137: {  	s2 =	spop (v2sf)  }
0x138: {  	s30 =	sshll.u32 s2, $0xB;
	s0 =	sshll.u32 s2, $0x7  }
0x139: {  	s30 =	sand.u32 $0xFFFFC000, s30;
	s0 =	sand.u32 $0x380, s0  }
0x13a: {  	s0 =	sor.u32 s0, s30  }
0x13b: {  	s30 =	sadd.s32 $0x100, s0  }
0x13c: {  	[hbm4b:s13+s3] =	stream.linear.scatter [tilespmem:s30], [sflag:$0x3], $0x80, $0x38;
	[tilespmem:$0x8100] =	vst v63  }
0x13d: {  	s31 =	sadd.s32 $0x80, s13;
	s30 =	sadd.s32 $0x500, s0  }
0x13e: {  	[hbm4b:s31+s3] =	stream.linear.scatter [tilespmem:s30], [sflag:$0x3], $0x80, $0x38;
	[tilespmem:$0x8100] =	vst v63  }
0x13f: {  	s30 =	sadd.s32 $0x900, s0;
	s31 =	sadd.s32 $0x100, s13  }
0x140: {  	[hbm4b:s31+s3] =	stream.linear.scatter [tilespmem:s30], [sflag:$0x3], $0x80, $0x38;
	[tilespmem:$0x8100] =	vst v63  }
0x141: {  	s30 =	sadd.s32 $0xD00, s0;
	s31 =	sadd.s32 $0x180, s13  }
0x142: {  	[hbm4b:s31+s3] =	stream.linear.scatter [tilespmem:s30], [sflag:$0x3], $0x80, $0x38;
	[tilespmem:$0x8100] =	vst v63  }
0x143: {  	s30 =	sadd.s32 $0x1100, s0;
	s31 =	sadd.s32 $0x200, s13  }
0x144: {  	[hbm4b:s31+s3] =	stream.linear.scatter [tilespmem:s30], [sflag:$0x3], $0x80, $0x38;
	[tilespmem:$0x8100] =	vst v63  }
0x145: {  	s30 =	sadd.s32 $0x1500, s0;
	s31 =	sadd.s32 $0x280, s13  }
0x146: {  	[hbm4b:s31+s3] =	stream.linear.scatter [tilespmem:s30], [sflag:$0x3], $0x80, $0x38;
	[tilespmem:$0x8100] =	vst v63  }
0x147: {  	s30 =	sadd.s32 $0x1900, s0;
	s31 =	sadd.s32 $0x300, s13  }
0x148: {  	[hbm4b:s31+s3] =	stream.linear.scatter [tilespmem:s30], [sflag:$0x3], $0x80, $0x38;
	[tilespmem:$0x8100] =	vst v63  }
0x149: {  	s30 =	sadd.s32 $0x1D00, s0;
	s31 =	sadd.s32 $0x380, s13  }
0x14a: {  	(v2sf) =	vpush v63, $0x9;
	[hbm4b:s31+s3] =	stream.linear.scatter [tilespmem:s30], [sflag:$0x3], $0x80, $0x38;
	[tilespmem:$0x8100] =	vst v63  }
0x14b: {  	s30 =	sadd.s32 $0x2100, s0;
	s31 =	sadd.s32 $0x400, s13  }
0x14c: {  	[hbm4b:s31+s3] =	stream.linear.scatter [tilespmem:s30], [sflag:$0x3], $0x80, $0x38;
	[tilespmem:$0x8100] =	vst v63  }
0x14d: {  	s30 =	sadd.s32 $0x2500, s0;
	s31 =	sadd.s32 $0x480, s13  }
0x14e: {  	[hbm4b:s31+s3] =	stream.linear.scatter [tilespmem:s30], [sflag:$0x3], $0x80, $0x38;
	[tilespmem:$0x8100] =	vst v63  }
0x14f: {  	s30 =	sadd.s32 $0x2900, s0;
	s31 =	sadd.s32 $0x500, s13  }
0x150: {  	[hbm4b:s31+s3] =	stream.linear.scatter [tilespmem:s30], [sflag:$0x3], $0x80, $0x38;
	[tilespmem:$0x8100] =	vst v63  }
0x151: {  	s30 =	sadd.s32 $0x2D00, s0;
	s31 =	sadd.s32 $0x580, s13  }
0x152: {  	[hbm4b:s31+s3] =	stream.linear.scatter [tilespmem:s30], [sflag:$0x3], $0x80, $0x38;
	[tilespmem:$0x8100] =	vst v63  }
0x153: {  	s30 =	sadd.s32 $0x3100, s0;
	s31 =	sadd.s32 $0x600, s13  }
0x154: {  	[hbm4b:s31+s3] =	stream.linear.scatter [tilespmem:s30], [sflag:$0x3], $0x80, $0x38;
	[tilespmem:$0x8100] =	vst v63  }
0x155: {  	s30 =	sadd.s32 $0x3500, s0;
	s31 =	sadd.s32 $0x680, s13  }
0x156: {  	[hbm4b:s31+s3] =	stream.linear.scatter [tilespmem:s30], [sflag:$0x3], $0x80, $0x38;
	[tilespmem:$0x8100] =	vst v63  }
0x157: {  	s30 =	sadd.s32 $0x3900, s0;
	s31 =	sadd.s32 $0x700, s13  }
0x158: {  	[hbm4b:s31+s3] =	stream.linear.scatter [tilespmem:s30], [sflag:$0x3], $0x80, $0x38;
	[tilespmem:$0x8100] =	vst v63  }
0x159: {  	s23 =	spop (v2sf);
	s0 =	sadd.s32 $0x3D00, s0;
	s30 =	sadd.s32 $0x780, s13  }
0x15a: {  	[hbm4b:s30+s3] =	stream.linear.scatter [tilespmem:s0], [sflag:$0x3], $0x80, $0x38;
	[tilespmem:$0x8100] =	vst v63  }
0x15b: {  	s30 =	sshll.u32 s23, $0xB;
	s0 =	sshll.u32 s23, $0x7  }
0x15c: {  	s30 =	sand.u32 $0xFFFFC000, s30;
	s0 =	sand.u32 $0x380, s0  }
0x15d: {  	s0 =	sor.u32 s0, s30  }
0x15e: {  	s30 =	sadd.s32 $0x100, s0  }
0x15f: {  	[hbm4b:s14+s3] =	stream.linear.scatter [tilespmem:s30], [sflag:$0x3], $0x80, $0x38;
	[tilespmem:$0x8100] =	vst v63  }
0x160: {  	s31 =	sadd.s32 $0x80, s14;
	s30 =	sadd.s32 $0x500, s0  }
0x161: {  	[hbm4b:s31+s3] =	stream.linear.scatter [tilespmem:s30], [sflag:$0x3], $0x80, $0x38;
	[tilespmem:$0x8100] =	vst v63  }
0x162: {  	s30 =	sadd.s32 $0x900, s0;
	s31 =	sadd.s32 $0x100, s14  }
0x163: {  	[hbm4b:s31+s3] =	stream.linear.scatter [tilespmem:s30], [sflag:$0x3], $0x80, $0x38;
	[tilespmem:$0x8100] =	vst v63  }
0x164: {  	s30 =	sadd.s32 $0xD00, s0;
	s31 =	sadd.s32 $0x180, s14  }
0x165: {  	[hbm4b:s31+s3] =	stream.linear.scatter [tilespmem:s30], [sflag:$0x3], $0x80, $0x38;
	[tilespmem:$0x8100] =	vst v63  }
0x166: {  	s30 =	sadd.s32 $0x1100, s0;
	s31 =	sadd.s32 $0x200, s14  }
0x167: {  	[hbm4b:s31+s3] =	stream.linear.scatter [tilespmem:s30], [sflag:$0x3], $0x80, $0x38;
	[tilespmem:$0x8100] =	vst v63  }
0x168: {  	s30 =	sadd.s32 $0x1500, s0;
	s31 =	sadd.s32 $0x280, s14  }
0x169: {  	[hbm4b:s31+s3] =	stream.linear.scatter [tilespmem:s30], [sflag:$0x3], $0x80, $0x38;
	[tilespmem:$0x8100] =	vst v63  }
0x16a: {  	s30 =	sadd.s32 $0x1900, s0;
	s31 =	sadd.s32 $0x300, s14  }
0x16b: {  	[hbm4b:s31+s3] =	stream.linear.scatter [tilespmem:s30], [sflag:$0x3], $0x80, $0x38;
	[tilespmem:$0x8100] =	vst v63  }
0x16c: {  	s30 =	sadd.s32 $0x1D00, s0;
	s31 =	sadd.s32 $0x380, s14  }
0x16d: {  	(v2sf) =	vpush v63, $0xA;
	[hbm4b:s31+s3] =	stream.linear.scatter [tilespmem:s30], [sflag:$0x3], $0x80, $0x38;
	[tilespmem:$0x8100] =	vst v63  }
0x16e: {  	s30 =	sadd.s32 $0x2100, s0;
	s31 =	sadd.s32 $0x400, s14  }
0x16f: {  	[hbm4b:s31+s3] =	stream.linear.scatter [tilespmem:s30], [sflag:$0x3], $0x80, $0x38;
	[tilespmem:$0x8100] =	vst v63  }
0x170: {  	s30 =	sadd.s32 $0x2500, s0;
	s31 =	sadd.s32 $0x480, s14  }
0x171: {  	[hbm4b:s31+s3] =	stream.linear.scatter [tilespmem:s30], [sflag:$0x3], $0x80, $0x38;
	[tilespmem:$0x8100] =	vst v63  }
0x172: {  	s30 =	sadd.s32 $0x2900, s0;
	s31 =	sadd.s32 $0x500, s14  }
0x173: {  	[hbm4b:s31+s3] =	stream.linear.scatter [tilespmem:s30], [sflag:$0x3], $0x80, $0x38;
	[tilespmem:$0x8100] =	vst v63  }
0x174: {  	s30 =	sadd.s32 $0x2D00, s0;
	s31 =	sadd.s32 $0x580, s14  }
0x175: {  	[hbm4b:s31+s3] =	stream.linear.scatter [tilespmem:s30], [sflag:$0x3], $0x80, $0x38;
	[tilespmem:$0x8100] =	vst v63  }
0x176: {  	s30 =	sadd.s32 $0x3100, s0;
	s31 =	sadd.s32 $0x600, s14  }
0x177: {  	[hbm4b:s31+s3] =	stream.linear.scatter [tilespmem:s30], [sflag:$0x3], $0x80, $0x38;
	[tilespmem:$0x8100] =	vst v63  }
0x178: {  	s30 =	sadd.s32 $0x3500, s0;
	s31 =	sadd.s32 $0x680, s14  }
0x179: {  	[hbm4b:s31+s3] =	stream.linear.scatter [tilespmem:s30], [sflag:$0x3], $0x80, $0x38;
	[tilespmem:$0x8100] =	vst v63  }
0x17a: {  	s30 =	sadd.s32 $0x3900, s0;
	s31 =	sadd.s32 $0x700, s14  }
0x17b: {  	[hbm4b:s31+s3] =	stream.linear.scatter [tilespmem:s30], [sflag:$0x3], $0x80, $0x38;
	[tilespmem:$0x8100] =	vst v63  }
0x17c: {  	s1 =	spop (v2sf);
	s0 =	sadd.s32 $0x3D00, s0;
	s30 =	sadd.s32 $0x780, s14  }
0x17d: {  	[hbm4b:s30+s3] =	stream.linear.scatter [tilespmem:s0], [sflag:$0x3], $0x80, $0x38;
	[tilespmem:$0x8100] =	vst v63  }
0x17e: {  	s30 =	sshll.u32 s1, $0xB;
	s0 =	sshll.u32 s1, $0x7  }
0x17f: {  	s30 =	sand.u32 $0xFFFFC000, s30;
	s0 =	sand.u32 $0x380, s0  }
0x180: {  	s0 =	sor.u32 s0, s30  }
0x181: {  	s30 =	sadd.s32 $0x100, s0  }
0x182: {  	[hbm4b:s15+s3] =	stream.linear.scatter [tilespmem:s30], [sflag:$0x3], $0x80, $0x38;
	[tilespmem:$0x8100] =	vst v63  }
0x183: {  	s31 =	sadd.s32 $0x80, s15;
	s30 =	sadd.s32 $0x500, s0  }
0x184: {  	[hbm4b:s31+s3] =	stream.linear.scatter [tilespmem:s30], [sflag:$0x3], $0x80, $0x38;
	[tilespmem:$0x8100] =	vst v63  }
0x185: {  	s30 =	sadd.s32 $0x900, s0;
	s31 =	sadd.s32 $0x100, s15  }
0x186: {  	[hbm4b:s31+s3] =	stream.linear.scatter [tilespmem:s30], [sflag:$0x3], $0x80, $0x38;
	[tilespmem:$0x8100] =	vst v63  }
0x187: {  	s30 =	sadd.s32 $0xD00, s0;
	s31 =	sadd.s32 $0x180, s15  }
0x188: {  	[hbm4b:s31+s3] =	stream.linear.scatter [tilespmem:s30], [sflag:$0x3], $0x80, $0x38;
	[tilespmem:$0x8100] =	vst v63  }
0x189: {  	s30 =	sadd.s32 $0x1100, s0;
	s31 =	sadd.s32 $0x200, s15  }
0x18a: {  	[hbm4b:s31+s3] =	stream.linear.scatter [tilespmem:s30], [sflag:$0x3], $0x80, $0x38;
	[tilespmem:$0x8100] =	vst v63  }
0x18b: {  	s30 =	sadd.s32 $0x1500, s0;
	s31 =	sadd.s32 $0x280, s15  }
0x18c: {  	[hbm4b:s31+s3] =	stream.linear.scatter [tilespmem:s30], [sflag:$0x3], $0x80, $0x38;
	[tilespmem:$0x8100] =	vst v63  }
0x18d: {  	s30 =	sadd.s32 $0x1900, s0;
	s31 =	sadd.s32 $0x300, s15  }
0x18e: {  	[hbm4b:s31+s3] =	stream.linear.scatter [tilespmem:s30], [sflag:$0x3], $0x80, $0x38;
	[tilespmem:$0x8100] =	vst v63  }
0x18f: {  	s30 =	sadd.s32 $0x1D00, s0;
	s31 =	sadd.s32 $0x380, s15  }
0x190: {  	(v2sf) =	vpush v63, $0xB;
	[hbm4b:s31+s3] =	stream.linear.scatter [tilespmem:s30], [sflag:$0x3], $0x80, $0x38;
	[tilespmem:$0x8100] =	vst v63  }
0x191: {  	s30 =	sadd.s32 $0x2100, s0;
	s31 =	sadd.s32 $0x400, s15  }
0x192: {  	[hbm4b:s31+s3] =	stream.linear.scatter [tilespmem:s30], [sflag:$0x3], $0x80, $0x38;
	[tilespmem:$0x8100] =	vst v63  }
0x193: {  	s30 =	sadd.s32 $0x2500, s0;
	s31 =	sadd.s32 $0x480, s15  }
0x194: {  	[hbm4b:s31+s3] =	stream.linear.scatter [tilespmem:s30], [sflag:$0x3], $0x80, $0x38;
	[tilespmem:$0x8100] =	vst v63  }
0x195: {  	s30 =	sadd.s32 $0x2900, s0;
	s31 =	sadd.s32 $0x500, s15  }
0x196: {  	[hbm4b:s31+s3] =	stream.linear.scatter [tilespmem:s30], [sflag:$0x3], $0x80, $0x38;
	[tilespmem:$0x8100] =	vst v63  }
0x197: {  	s30 =	sadd.s32 $0x2D00, s0;
	s31 =	sadd.s32 $0x580, s15  }
0x198: {  	[hbm4b:s31+s3] =	stream.linear.scatter [tilespmem:s30], [sflag:$0x3], $0x80, $0x38;
	[tilespmem:$0x8100] =	vst v63  }
0x199: {  	s30 =	sadd.s32 $0x3100, s0;
	s31 =	sadd.s32 $0x600, s15  }
0x19a: {  	[hbm4b:s31+s3] =	stream.linear.scatter [tilespmem:s30], [sflag:$0x3], $0x80, $0x38;
	[tilespmem:$0x8100] =	vst v63  }
0x19b: {  	s30 =	sadd.s32 $0x3500, s0;
	s31 =	sadd.s32 $0x680, s15  }
0x19c: {  	[hbm4b:s31+s3] =	stream.linear.scatter [tilespmem:s30], [sflag:$0x3], $0x80, $0x38;
	[tilespmem:$0x8100] =	vst v63  }
0x19d: {  	s30 =	sadd.s32 $0x3900, s0;
	s31 =	sadd.s32 $0x700, s15  }
0x19e: {  	[hbm4b:s31+s3] =	stream.linear.scatter [tilespmem:s30], [sflag:$0x3], $0x80, $0x38;
	[tilespmem:$0x8100] =	vst v63  }
0x19f: {  	s2 =	spop (v2sf);
	s0 =	sadd.s32 $0x3D00, s0;
	s30 =	sadd.s32 $0x780, s15  }
0x1a0: {  	[hbm4b:s30+s3] =	stream.linear.scatter [tilespmem:s0], [sflag:$0x3], $0x80, $0x38;
	[tilespmem:$0x8100] =	vst v63  }
0x1a1: {  	s30 =	sshll.u32 s2, $0xB;
	s0 =	sshll.u32 s2, $0x7  }
0x1a2: {  	s30 =	sand.u32 $0xFFFFC000, s30;
	s0 =	sand.u32 $0x380, s0  }
0x1a3: {  	s0 =	sor.u32 s0, s30  }
0x1a4: {  	s30 =	sadd.s32 $0x100, s0  }
0x1a5: {  	[hbm4b:s16+s3] =	stream.linear.scatter [tilespmem:s30], [sflag:$0x3], $0x80, $0x38;
	[tilespmem:$0x8100] =	vst v63  }
0x1a6: {  	s31 =	sadd.s32 $0x80, s16;
	s30 =	sadd.s32 $0x500, s0  }
0x1a7: {  	[hbm4b:s31+s3] =	stream.linear.scatter [tilespmem:s30], [sflag:$0x3], $0x80, $0x38;
	[tilespmem:$0x8100] =	vst v63  }
0x1a8: {  	s30 =	sadd.s32 $0x900, s0;
	s31 =	sadd.s32 $0x100, s16  }
0x1a9: {  	[hbm4b:s31+s3] =	stream.linear.scatter [tilespmem:s30], [sflag:$0x3], $0x80, $0x38;
	[tilespmem:$0x8100] =	vst v63  }
0x1aa: {  	s30 =	sadd.s32 $0xD00, s0;
	s31 =	sadd.s32 $0x180, s16  }
0x1ab: {  	[hbm4b:s31+s3] =	stream.linear.scatter [tilespmem:s30], [sflag:$0x3], $0x80, $0x38;
	[tilespmem:$0x8100] =	vst v63  }
0x1ac: {  	s30 =	sadd.s32 $0x1100, s0;
	s31 =	sadd.s32 $0x200, s16  }
0x1ad: {  	[hbm4b:s31+s3] =	stream.linear.scatter [tilespmem:s30], [sflag:$0x3], $0x80, $0x38;
	[tilespmem:$0x8100] =	vst v63  }
0x1ae: {  	s30 =	sadd.s32 $0x1500, s0;
	s31 =	sadd.s32 $0x280, s16  }
0x1af: {  	[hbm4b:s31+s3] =	stream.linear.scatter [tilespmem:s30], [sflag:$0x3], $0x80, $0x38;
	[tilespmem:$0x8100] =	vst v63  }
0x1b0: {  	s30 =	sadd.s32 $0x1900, s0;
	s31 =	sadd.s32 $0x300, s16  }
0x1b1: {  	[hbm4b:s31+s3] =	stream.linear.scatter [tilespmem:s30], [sflag:$0x3], $0x80, $0x38;
	[tilespmem:$0x8100] =	vst v63  }
0x1b2: {  	s30 =	sadd.s32 $0x1D00, s0;
	s31 =	sadd.s32 $0x380, s16  }
0x1b3: {  	(v2sf) =	vpush v63, $0xC;
	[hbm4b:s31+s3] =	stream.linear.scatter [tilespmem:s30], [sflag:$0x3], $0x80, $0x38;
	[tilespmem:$0x8100] =	vst v63  }
0x1b4: {  	s30 =	sadd.s32 $0x2100, s0;
	s31 =	sadd.s32 $0x400, s16  }
0x1b5: {  	[hbm4b:s31+s3] =	stream.linear.scatter [tilespmem:s30], [sflag:$0x3], $0x80, $0x38;
	[tilespmem:$0x8100] =	vst v63  }
0x1b6: {  	s30 =	sadd.s32 $0x2500, s0;
	s31 =	sadd.s32 $0x480, s16  }
0x1b7: {  	[hbm4b:s31+s3] =	stream.linear.scatter [tilespmem:s30], [sflag:$0x3], $0x80, $0x38;
	[tilespmem:$0x8100] =	vst v63  }
0x1b8: {  	s30 =	sadd.s32 $0x2900, s0;
	s31 =	sadd.s32 $0x500, s16  }
0x1b9: {  	[hbm4b:s31+s3] =	stream.linear.scatter [tilespmem:s30], [sflag:$0x3], $0x80, $0x38;
	[tilespmem:$0x8100] =	vst v63  }
0x1ba: {  	s30 =	sadd.s32 $0x2D00, s0;
	s31 =	sadd.s32 $0x580, s16  }
0x1bb: {  	[hbm4b:s31+s3] =	stream.linear.scatter [tilespmem:s30], [sflag:$0x3], $0x80, $0x38;
	[tilespmem:$0x8100] =	vst v63  }
0x1bc: {  	s30 =	sadd.s32 $0x3100, s0;
	s31 =	sadd.s32 $0x600, s16  }
0x1bd: {  	[hbm4b:s31+s3] =	stream.linear.scatter [tilespmem:s30], [sflag:$0x3], $0x80, $0x38;
	[tilespmem:$0x8100] =	vst v63  }
0x1be: {  	s30 =	sadd.s32 $0x3500, s0;
	s31 =	sadd.s32 $0x680, s16  }
0x1bf: {  	[hbm4b:s31+s3] =	stream.linear.scatter [tilespmem:s30], [sflag:$0x3], $0x80, $0x38;
	[tilespmem:$0x8100] =	vst v63  }
0x1c0: {  	s30 =	sadd.s32 $0x3900, s0;
	s31 =	sadd.s32 $0x700, s16  }
0x1c1: {  	[hbm4b:s31+s3] =	stream.linear.scatter [tilespmem:s30], [sflag:$0x3], $0x80, $0x38;
	[tilespmem:$0x8100] =	vst v63  }
0x1c2: {  	s23 =	spop (v2sf);
	s0 =	sadd.s32 $0x3D00, s0;
	s30 =	sadd.s32 $0x780, s16  }
0x1c3: {  	[hbm4b:s30+s3] =	stream.linear.scatter [tilespmem:s0], [sflag:$0x3], $0x80, $0x38;
	[tilespmem:$0x8100] =	vst v63  }
0x1c4: {  	s30 =	sshll.u32 s23, $0xB;
	s0 =	sshll.u32 s23, $0x7  }
0x1c5: {  	s30 =	sand.u32 $0xFFFFC000, s30;
	s0 =	sand.u32 $0x380, s0  }
0x1c6: {  	s0 =	sor.u32 s0, s30  }
0x1c7: {  	s30 =	sadd.s32 $0x100, s0  }
0x1c8: {  	[hbm4b:s17+s3] =	stream.linear.scatter [tilespmem:s30], [sflag:$0x3], $0x80, $0x38;
	[tilespmem:$0x8100] =	vst v63  }
0x1c9: {  	s31 =	sadd.s32 $0x80, s17;
	s30 =	sadd.s32 $0x500, s0  }
0x1ca: {  	[hbm4b:s31+s3] =	stream.linear.scatter [tilespmem:s30], [sflag:$0x3], $0x80, $0x38;
	[tilespmem:$0x8100] =	vst v63  }
0x1cb: {  	s30 =	sadd.s32 $0x900, s0;
	s31 =	sadd.s32 $0x100, s17  }
0x1cc: {  	[hbm4b:s31+s3] =	stream.linear.scatter [tilespmem:s30], [sflag:$0x3], $0x80, $0x38;
	[tilespmem:$0x8100] =	vst v63  }
0x1cd: {  	s30 =	sadd.s32 $0xD00, s0;
	s31 =	sadd.s32 $0x180, s17  }
0x1ce: {  	[hbm4b:s31+s3] =	stream.linear.scatter [tilespmem:s30], [sflag:$0x3], $0x80, $0x38;
	[tilespmem:$0x8100] =	vst v63  }
0x1cf: {  	s30 =	sadd.s32 $0x1100, s0;
	s31 =	sadd.s32 $0x200, s17  }
0x1d0: {  	[hbm4b:s31+s3] =	stream.linear.scatter [tilespmem:s30], [sflag:$0x3], $0x80, $0x38;
	[tilespmem:$0x8100] =	vst v63  }
0x1d1: {  	s30 =	sadd.s32 $0x1500, s0;
	s31 =	sadd.s32 $0x280, s17  }
0x1d2: {  	[hbm4b:s31+s3] =	stream.linear.scatter [tilespmem:s30], [sflag:$0x3], $0x80, $0x38;
	[tilespmem:$0x8100] =	vst v63  }
0x1d3: {  	s30 =	sadd.s32 $0x1900, s0;
	s31 =	sadd.s32 $0x300, s17  }
0x1d4: {  	[hbm4b:s31+s3] =	stream.linear.scatter [tilespmem:s30], [sflag:$0x3], $0x80, $0x38;
	[tilespmem:$0x8100] =	vst v63  }
0x1d5: {  	s30 =	sadd.s32 $0x1D00, s0;
	s31 =	sadd.s32 $0x380, s17  }
0x1d6: {  	(v2sf) =	vpush v63, $0xD;
	[hbm4b:s31+s3] =	stream.linear.scatter [tilespmem:s30], [sflag:$0x3], $0x80, $0x38;
	[tilespmem:$0x8100] =	vst v63  }
0x1d7: {  	s30 =	sadd.s32 $0x2100, s0;
	s31 =	sadd.s32 $0x400, s17  }
0x1d8: {  	[hbm4b:s31+s3] =	stream.linear.scatter [tilespmem:s30], [sflag:$0x3], $0x80, $0x38;
	[tilespmem:$0x8100] =	vst v63  }
0x1d9: {  	s30 =	sadd.s32 $0x2500, s0;
	s31 =	sadd.s32 $0x480, s17  }
0x1da: {  	[hbm4b:s31+s3] =	stream.linear.scatter [tilespmem:s30], [sflag:$0x3], $0x80, $0x38;
	[tilespmem:$0x8100] =	vst v63  }
0x1db: {  	s30 =	sadd.s32 $0x2900, s0;
	s31 =	sadd.s32 $0x500, s17  }
0x1dc: {  	[hbm4b:s31+s3] =	stream.linear.scatter [tilespmem:s30], [sflag:$0x3], $0x80, $0x38;
	[tilespmem:$0x8100] =	vst v63  }
0x1dd: {  	s30 =	sadd.s32 $0x2D00, s0;
	s31 =	sadd.s32 $0x580, s17  }
0x1de: {  	[hbm4b:s31+s3] =	stream.linear.scatter [tilespmem:s30], [sflag:$0x3], $0x80, $0x38;
	[tilespmem:$0x8100] =	vst v63  }
0x1df: {  	s30 =	sadd.s32 $0x3100, s0;
	s31 =	sadd.s32 $0x600, s17  }
0x1e0: {  	[hbm4b:s31+s3] =	stream.linear.scatter [tilespmem:s30], [sflag:$0x3], $0x80, $0x38;
	[tilespmem:$0x8100] =	vst v63  }
0x1e1: {  	s30 =	sadd.s32 $0x3500, s0;
	s31 =	sadd.s32 $0x680, s17  }
0x1e2: {  	[hbm4b:s31+s3] =	stream.linear.scatter [tilespmem:s30], [sflag:$0x3], $0x80, $0x38;
	[tilespmem:$0x8100] =	vst v63  }
0x1e3: {  	s30 =	sadd.s32 $0x3900, s0;
	s31 =	sadd.s32 $0x700, s17  }
0x1e4: {  	[hbm4b:s31+s3] =	stream.linear.scatter [tilespmem:s30], [sflag:$0x3], $0x80, $0x38;
	[tilespmem:$0x8100] =	vst v63  }
0x1e5: {  	s1 =	spop (v2sf);
	s0 =	sadd.s32 $0x3D00, s0;
	s30 =	sadd.s32 $0x780, s17  }
0x1e6: {  	[hbm4b:s30+s3] =	stream.linear.scatter [tilespmem:s0], [sflag:$0x3], $0x80, $0x38;
	[tilespmem:$0x8100] =	vst v63  }
0x1e7: {  	s30 =	sshll.u32 s1, $0xB;
	s0 =	sshll.u32 s1, $0x7  }
0x1e8: {  	s30 =	sand.u32 $0xFFFFC000, s30;
	s0 =	sand.u32 $0x380, s0  }
0x1e9: {  	s0 =	sor.u32 s0, s30  }
0x1ea: {  	s30 =	sadd.s32 $0x100, s0  }
0x1eb: {  	[hbm4b:s18+s3] =	stream.linear.scatter [tilespmem:s30], [sflag:$0x3], $0x80, $0x38;
	[tilespmem:$0x8100] =	vst v63  }
0x1ec: {  	s31 =	sadd.s32 $0x80, s18;
	s30 =	sadd.s32 $0x500, s0  }
0x1ed: {  	[hbm4b:s31+s3] =	stream.linear.scatter [tilespmem:s30], [sflag:$0x3], $0x80, $0x38;
	[tilespmem:$0x8100] =	vst v63  }
0x1ee: {  	s30 =	sadd.s32 $0x900, s0;
	s31 =	sadd.s32 $0x100, s18  }
0x1ef: {  	[hbm4b:s31+s3] =	stream.linear.scatter [tilespmem:s30], [sflag:$0x3], $0x80, $0x38;
	[tilespmem:$0x8100] =	vst v63  }
0x1f0: {  	s30 =	sadd.s32 $0xD00, s0;
	s31 =	sadd.s32 $0x180, s18  }
0x1f1: {  	[hbm4b:s31+s3] =	stream.linear.scatter [tilespmem:s30], [sflag:$0x3], $0x80, $0x38;
	[tilespmem:$0x8100] =	vst v63  }
0x1f2: {  	s30 =	sadd.s32 $0x1100, s0;
	s31 =	sadd.s32 $0x200, s18  }
0x1f3: {  	[hbm4b:s31+s3] =	stream.linear.scatter [tilespmem:s30], [sflag:$0x3], $0x80, $0x38;
	[tilespmem:$0x8100] =	vst v63  }
0x1f4: {  	s30 =	sadd.s32 $0x1500, s0;
	s31 =	sadd.s32 $0x280, s18  }
0x1f5: {  	[hbm4b:s31+s3] =	stream.linear.scatter [tilespmem:s30], [sflag:$0x3], $0x80, $0x38;
	[tilespmem:$0x8100] =	vst v63  }
0x1f6: {  	s30 =	sadd.s32 $0x1900, s0;
	s31 =	sadd.s32 $0x300, s18  }
0x1f7: {  	[hbm4b:s31+s3] =	stream.linear.scatter [tilespmem:s30], [sflag:$0x3], $0x80, $0x38;
	[tilespmem:$0x8100] =	vst v63  }
0x1f8: {  	s30 =	sadd.s32 $0x1D00, s0;
	s31 =	sadd.s32 $0x380, s18  }
0x1f9: {  	(v2sf) =	vpush v63, $0xE;
	[hbm4b:s31+s3] =	stream.linear.scatter [tilespmem:s30], [sflag:$0x3], $0x80, $0x38;
	[tilespmem:$0x8100] =	vst v63  }
0x1fa: {  	s30 =	sadd.s32 $0x2100, s0;
	s31 =	sadd.s32 $0x400, s18  }
0x1fb: {  	[hbm4b:s31+s3] =	stream.linear.scatter [tilespmem:s30], [sflag:$0x3], $0x80, $0x38;
	[tilespmem:$0x8100] =	vst v63  }
0x1fc: {  	s30 =	sadd.s32 $0x2500, s0;
	s31 =	sadd.s32 $0x480, s18  }
0x1fd: {  	[hbm4b:s31+s3] =	stream.linear.scatter [tilespmem:s30], [sflag:$0x3], $0x80, $0x38;
	[tilespmem:$0x8100] =	vst v63  }
0x1fe: {  	s30 =	sadd.s32 $0x2900, s0;
	s31 =	sadd.s32 $0x500, s18  }
0x1ff: {  	[hbm4b:s31+s3] =	stream.linear.scatter [tilespmem:s30], [sflag:$0x3], $0x80, $0x38;
	[tilespmem:$0x8100] =	vst v63  }
0x200: {  	s30 =	sadd.s32 $0x2D00, s0;
	s31 =	sadd.s32 $0x580, s18  }
0x201: {  	[hbm4b:s31+s3] =	stream.linear.scatter [tilespmem:s30], [sflag:$0x3], $0x80, $0x38;
	[tilespmem:$0x8100] =	vst v63  }
0x202: {  	s30 =	sadd.s32 $0x3100, s0;
	s31 =	sadd.s32 $0x600, s18  }
0x203: {  	[hbm4b:s31+s3] =	stream.linear.scatter [tilespmem:s30], [sflag:$0x3], $0x80, $0x38;
	[tilespmem:$0x8100] =	vst v63  }
0x204: {  	s30 =	sadd.s32 $0x3500, s0;
	s31 =	sadd.s32 $0x680, s18  }
0x205: {  	[hbm4b:s31+s3] =	stream.linear.scatter [tilespmem:s30], [sflag:$0x3], $0x80, $0x38;
	[tilespmem:$0x8100] =	vst v63  }
0x206: {  	s30 =	sadd.s32 $0x3900, s0;
	s31 =	sadd.s32 $0x700, s18  }
0x207: {  	[hbm4b:s31+s3] =	stream.linear.scatter [tilespmem:s30], [sflag:$0x3], $0x80, $0x38;
	[tilespmem:$0x8100] =	vst v63  }
0x208: {  	s2 =	spop (v2sf);
	s0 =	sadd.s32 $0x3D00, s0;
	s30 =	sadd.s32 $0x780, s18  }
0x209: {  	[hbm4b:s30+s3] =	stream.linear.scatter [tilespmem:s0], [sflag:$0x3], $0x80, $0x38;
	[tilespmem:$0x8100] =	vst v63  }
0x20a: {  	s30 =	sshll.u32 s2, $0xB;
	s0 =	sshll.u32 s2, $0x7  }
0x20b: {  	s30 =	sand.u32 $0xFFFFC000, s30;
	s0 =	sand.u32 $0x380, s0  }
0x20c: {  	s0 =	sor.u32 s0, s30  }
0x20d: {  	s30 =	sadd.s32 $0x100, s0  }
0x20e: {  	[hbm4b:s19+s3] =	stream.linear.scatter [tilespmem:s30], [sflag:$0x3], $0x80, $0x38;
	[tilespmem:$0x8100] =	vst v63  }
0x20f: {  	s31 =	sadd.s32 $0x80, s19;
	s30 =	sadd.s32 $0x500, s0  }
0x210: {  	[hbm4b:s31+s3] =	stream.linear.scatter [tilespmem:s30], [sflag:$0x3], $0x80, $0x38;
	[tilespmem:$0x8100] =	vst v63  }
0x211: {  	s30 =	sadd.s32 $0x900, s0;
	s31 =	sadd.s32 $0x100, s19  }
0x212: {  	[hbm4b:s31+s3] =	stream.linear.scatter [tilespmem:s30], [sflag:$0x3], $0x80, $0x38;
	[tilespmem:$0x8100] =	vst v63  }
0x213: {  	s30 =	sadd.s32 $0xD00, s0;
	s31 =	sadd.s32 $0x180, s19  }
0x214: {  	[hbm4b:s31+s3] =	stream.linear.scatter [tilespmem:s30], [sflag:$0x3], $0x80, $0x38;
	[tilespmem:$0x8100] =	vst v63  }
0x215: {  	s30 =	sadd.s32 $0x1100, s0;
	s31 =	sadd.s32 $0x200, s19  }
0x216: {  	[hbm4b:s31+s3] =	stream.linear.scatter [tilespmem:s30], [sflag:$0x3], $0x80, $0x38;
	[tilespmem:$0x8100] =	vst v63  }
0x217: {  	s30 =	sadd.s32 $0x1500, s0;
	s31 =	sadd.s32 $0x280, s19  }
0x218: {  	[hbm4b:s31+s3] =	stream.linear.scatter [tilespmem:s30], [sflag:$0x3], $0x80, $0x38;
	[tilespmem:$0x8100] =	vst v63  }
0x219: {  	s30 =	sadd.s32 $0x1900, s0;
	s31 =	sadd.s32 $0x300, s19  }
0x21a: {  	[hbm4b:s31+s3] =	stream.linear.scatter [tilespmem:s30], [sflag:$0x3], $0x80, $0x38;
	[tilespmem:$0x8100] =	vst v63  }
0x21b: {  	s30 =	sadd.s32 $0x1D00, s0;
	s31 =	sadd.s32 $0x380, s19  }
0x21c: {  	(v2sf) =	vpush v63, $0xF;
	[hbm4b:s31+s3] =	stream.linear.scatter [tilespmem:s30], [sflag:$0x3], $0x80, $0x38;
	[tilespmem:$0x8100] =	vst v63  }
0x21d: {  	s30 =	sadd.s32 $0x2100, s0;
	s31 =	sadd.s32 $0x400, s19  }
0x21e: {  	[hbm4b:s31+s3] =	stream.linear.scatter [tilespmem:s30], [sflag:$0x3], $0x80, $0x38;
	[tilespmem:$0x8100] =	vst v63  }
0x21f: {  	s30 =	sadd.s32 $0x2500, s0;
	s31 =	sadd.s32 $0x480, s19  }
0x220: {  	[hbm4b:s31+s3] =	stream.linear.scatter [tilespmem:s30], [sflag:$0x3], $0x80, $0x38;
	[tilespmem:$0x8100] =	vst v63  }
0x221: {  	s30 =	sadd.s32 $0x2900, s0;
	s31 =	sadd.s32 $0x500, s19  }
0x222: {  	[hbm4b:s31+s3] =	stream.linear.scatter [tilespmem:s30], [sflag:$0x3], $0x80, $0x38;
	[tilespmem:$0x8100] =	vst v63  }
0x223: {  	s30 =	sadd.s32 $0x2D00, s0;
	s31 =	sadd.s32 $0x580, s19  }
0x224: {  	[hbm4b:s31+s3] =	stream.linear.scatter [tilespmem:s30], [sflag:$0x3], $0x80, $0x38;
	[tilespmem:$0x8100] =	vst v63  }
0x225: {  	s30 =	sadd.s32 $0x3100, s0;
	s31 =	sadd.s32 $0x600, s19  }
0x226: {  	[hbm4b:s31+s3] =	stream.linear.scatter [tilespmem:s30], [sflag:$0x3], $0x80, $0x38;
	[tilespmem:$0x8100] =	vst v63  }
0x227: {  	s30 =	sadd.s32 $0x3500, s0;
	s31 =	sadd.s32 $0x680, s19  }
0x228: {  	[hbm4b:s31+s3] =	stream.linear.scatter [tilespmem:s30], [sflag:$0x3], $0x80, $0x38;
	[tilespmem:$0x8100] =	vst v63  }
0x229: {  	s30 =	sadd.s32 $0x3900, s0;
	s31 =	sadd.s32 $0x700, s19  }
0x22a: {  	[hbm4b:s31+s3] =	stream.linear.scatter [tilespmem:s30], [sflag:$0x3], $0x80, $0x38;
	[tilespmem:$0x8100] =	vst v63  }
0x22b: {  	s23 =	spop (v2sf);
	s0 =	sadd.s32 $0x3D00, s0;
	s30 =	sadd.s32 $0x780, s19  }
0x22c: {  	[hbm4b:s30+s3] =	stream.linear.scatter [tilespmem:s0], [sflag:$0x3], $0x80, $0x38;
	[tilespmem:$0x8100] =	vst v63  }
0x22d: {  	s30 =	sshll.u32 s23, $0xB;
	s0 =	sshll.u32 s23, $0x7  }
0x22e: {  	s30 =	sand.u32 $0xFFFFC000, s30;
	s0 =	sand.u32 $0x380, s0  }
0x22f: {  	s0 =	sor.u32 s0, s30  }
0x230: {  	s30 =	sadd.s32 $0x100, s0  }
0x231: {  	[hbm4b:s20+s3] =	stream.linear.scatter [tilespmem:s30], [sflag:$0x3], $0x80, $0x38;
	[tilespmem:$0x8100] =	vst v63  }
0x232: {  	s31 =	sadd.s32 $0x80, s20;
	s30 =	sadd.s32 $0x500, s0  }
0x233: {  	[hbm4b:s31+s3] =	stream.linear.scatter [tilespmem:s30], [sflag:$0x3], $0x80, $0x38;
	[tilespmem:$0x8100] =	vst v63  }
0x234: {  	s30 =	sadd.s32 $0x900, s0;
	s31 =	sadd.s32 $0x100, s20  }
0x235: {  	[hbm4b:s31+s3] =	stream.linear.scatter [tilespmem:s30], [sflag:$0x3], $0x80, $0x38;
	[tilespmem:$0x8100] =	vst v63  }
0x236: {  	s30 =	sadd.s32 $0xD00, s0;
	s31 =	sadd.s32 $0x180, s20  }
0x237: {  	[hbm4b:s31+s3] =	stream.linear.scatter [tilespmem:s30], [sflag:$0x3], $0x80, $0x38;
	[tilespmem:$0x8100] =	vst v63  }
0x238: {  	s30 =	sadd.s32 $0x1100, s0;
	s31 =	sadd.s32 $0x200, s20  }
0x239: {  	[hbm4b:s31+s3] =	stream.linear.scatter [tilespmem:s30], [sflag:$0x3], $0x80, $0x38;
	[tilespmem:$0x8100] =	vst v63  }
0x23a: {  	s30 =	sadd.s32 $0x1500, s0;
	s31 =	sadd.s32 $0x280, s20  }
0x23b: {  	[hbm4b:s31+s3] =	stream.linear.scatter [tilespmem:s30], [sflag:$0x3], $0x80, $0x38;
	[tilespmem:$0x8100] =	vst v63  }
0x23c: {  	s30 =	sadd.s32 $0x1900, s0;
	s31 =	sadd.s32 $0x300, s20  }
0x23d: {  	[hbm4b:s31+s3] =	stream.linear.scatter [tilespmem:s30], [sflag:$0x3], $0x80, $0x38;
	[tilespmem:$0x8100] =	vst v63  }
0x23e: {  	s30 =	sadd.s32 $0x1D00, s0;
	s31 =	sadd.s32 $0x380, s20  }
0x23f: {  	[hbm4b:s31+s3] =	stream.linear.scatter [tilespmem:s30], [sflag:$0x3], $0x80, $0x38;
	[tilespmem:$0x8100] =	vst v63  }
0x240: {  	s30 =	sadd.s32 $0x2100, s0;
	s31 =	sadd.s32 $0x400, s20  }
0x241: {  	[hbm4b:s31+s3] =	stream.linear.scatter [tilespmem:s30], [sflag:$0x3], $0x80, $0x38;
	[tilespmem:$0x8100] =	vst v63  }
0x242: {  	s30 =	sadd.s32 $0x2500, s0;
	s31 =	sadd.s32 $0x480, s20  }
0x243: {  	[hbm4b:s31+s3] =	stream.linear.scatter [tilespmem:s30], [sflag:$0x3], $0x80, $0x38;
	[tilespmem:$0x8100] =	vst v63  }
0x244: {  	s30 =	sadd.s32 $0x2900, s0;
	s31 =	sadd.s32 $0x500, s20  }
0x245: {  	[hbm4b:s31+s3] =	stream.linear.scatter [tilespmem:s30], [sflag:$0x3], $0x80, $0x38;
	[tilespmem:$0x8100] =	vst v63  }
0x246: {  	s30 =	sadd.s32 $0x2D00, s0;
	s31 =	sadd.s32 $0x580, s20  }
0x247: {  	[hbm4b:s31+s3] =	stream.linear.scatter [tilespmem:s30], [sflag:$0x3], $0x80, $0x38;
	[tilespmem:$0x8100] =	vst v63  }
0x248: {  	s30 =	sadd.s32 $0x3100, s0;
	s31 =	sadd.s32 $0x600, s20  }
0x249: {  	[hbm4b:s31+s3] =	stream.linear.scatter [tilespmem:s30], [sflag:$0x3], $0x80, $0x38;
	[tilespmem:$0x8100] =	vst v63  }
0x24a: {  	s30 =	sadd.s32 $0x3500, s0;
	s31 =	sadd.s32 $0x680, s20  }
0x24b: {  	[hbm4b:s31+s3] =	stream.linear.scatter [tilespmem:s30], [sflag:$0x3], $0x80, $0x38;
	[tilespmem:$0x8100] =	vst v63  }
0x24c: {  	s30 =	sadd.s32 $0x3900, s0;
	s31 =	sadd.s32 $0x700, s20  }
0x24d: {  	[hbm4b:s31+s3] =	stream.linear.scatter [tilespmem:s30], [sflag:$0x3], $0x80, $0x38;
	[tilespmem:$0x8100] =	vst v63  }
0x24e: {  	s0 =	sadd.s32 $0x3D00, s0;
	s30 =	sadd.s32 $0x780, s20  }
0x24f: {  	[hbm4b:s30+s3] =	stream.linear.scatter [tilespmem:s0], [sflag:$0x3], $0x80, $0x38;
	[tilespmem:$0x8100] =	vst v63  }
0x250: {  	s31 =	simm.s32 $0x0;
	s30 =	simm.s32 $0x10  }
.LBB2_2:
0x251: {  	_ =	swait.ge [sflag:s26], $0x800  }
0x252: {  	[sflag:s26] =	ssyncset.done $0x0  }
0x253: {  	[sflag:s26] =	ssyncadd.s32 $0xFFFFF800  }
0x254: {  	v0 =	vld [tilespmem:s30+$0x0];
	_ =	sdelay $0x4  }
0x255: {  	(v2sf) =	vpush v0, $0x0;
	_ =	sdelay $0xe  }
0x256: {  	s0 =	spop (v2sf)  }
0x257: {  	s1 =	sshll.u32 s0, $0xB;
	s0 =	sshll.u32 s0, $0x7  }
0x258: {  	s2 =	rddreg [dreg:$0x4];
	s1 =	sand.u32 $0xFFFFC000, s1;
	s0 =	sand.u32 $0x380, s0  }
0x259: {  	s1 =	sor.u32 s0, s1;
	s0 =	sadd.s32 s31, s2  }
0x25a: {  	s2 =	sadd.s32 $0x100, s1;
	s23 =	sadd.s32 $0x1000, s0  }
0x25b: {  	[hbm4b:s23+s3] =	stream.linear.scatter [tilespmem:s2], [sflag:$0x2], $0x80, $0x38;
	[tilespmem:$0x8100] =	vst v63  }
0x25c: {  	s2 =	sadd.s32 $0x500, s1;
	s23 =	sadd.s32 $0x1080, s0  }
0x25d: {  	[hbm4b:s23+s3] =	stream.linear.scatter [tilespmem:s2], [sflag:$0x2], $0x80, $0x38;
	[tilespmem:$0x8100] =	vst v63  }
0x25e: {  	s2 =	sadd.s32 $0x900, s1;
	s23 =	sadd.s32 $0x1100, s0  }
0x25f: {  	[hbm4b:s23+s3] =	stream.linear.scatter [tilespmem:s2], [sflag:$0x2], $0x80, $0x38;
	[tilespmem:$0x8100] =	vst v63  }
0x260: {  	s2 =	sadd.s32 $0xD00, s1;
	s23 =	sadd.s32 $0x1180, s0  }
0x261: {  	[hbm4b:s23+s3] =	stream.linear.scatter [tilespmem:s2], [sflag:$0x2], $0x80, $0x38;
	[tilespmem:$0x8100] =	vst v63  }
0x262: {  	s2 =	sadd.s32 $0x1100, s1;
	s23 =	sadd.s32 $0x1200, s0  }
0x263: {  	[hbm4b:s23+s3] =	stream.linear.scatter [tilespmem:s2], [sflag:$0x2], $0x80, $0x38;
	[tilespmem:$0x8100] =	vst v63  }
0x264: {  	s2 =	sadd.s32 $0x1500, s1;
	s23 =	sadd.s32 $0x1280, s0  }
0x265: {  	[hbm4b:s23+s3] =	stream.linear.scatter [tilespmem:s2], [sflag:$0x2], $0x80, $0x38;
	[tilespmem:$0x8100] =	vst v63  }
0x266: {  	s2 =	sadd.s32 $0x1900, s1;
	s23 =	sadd.s32 $0x1300, s0  }
0x267: {  	[hbm4b:s23+s3] =	stream.linear.scatter [tilespmem:s2], [sflag:$0x2], $0x80, $0x38;
	[tilespmem:$0x8100] =	vst v63  }
0x268: {  	s2 =	sadd.s32 $0x1D00, s1;
	s23 =	sadd.s32 $0x1380, s0  }
0x269: {  	(v2sf) =	vpush v0, $0x1;
	[hbm4b:s23+s3] =	stream.linear.scatter [tilespmem:s2], [sflag:$0x2], $0x80, $0x38;
	[tilespmem:$0x8100] =	vst v63  }
0x26a: {  	s2 =	sadd.s32 $0x2100, s1;
	s23 =	sadd.s32 $0x1400, s0  }
0x26b: {  	[hbm4b:s23+s3] =	stream.linear.scatter [tilespmem:s2], [sflag:$0x2], $0x80, $0x38;
	[tilespmem:$0x8100] =	vst v63  }
0x26c: {  	s2 =	sadd.s32 $0x2500, s1;
	s23 =	sadd.s32 $0x1480, s0  }
0x26d: {  	[hbm4b:s23+s3] =	stream.linear.scatter [tilespmem:s2], [sflag:$0x2], $0x80, $0x38;
	[tilespmem:$0x8100] =	vst v63  }
0x26e: {  	s2 =	sadd.s32 $0x2900, s1;
	s23 =	sadd.s32 $0x1500, s0  }
0x26f: {  	[hbm4b:s23+s3] =	stream.linear.scatter [tilespmem:s2], [sflag:$0x2], $0x80, $0x38;
	[tilespmem:$0x8100] =	vst v63  }
0x270: {  	s2 =	sadd.s32 $0x2D00, s1;
	s23 =	sadd.s32 $0x1580, s0  }
0x271: {  	[hbm4b:s23+s3] =	stream.linear.scatter [tilespmem:s2], [sflag:$0x2], $0x80, $0x38;
	[tilespmem:$0x8100] =	vst v63  }
0x272: {  	s2 =	sadd.s32 $0x3100, s1;
	s23 =	sadd.s32 $0x1600, s0  }
0x273: {  	[hbm4b:s23+s3] =	stream.linear.scatter [tilespmem:s2], [sflag:$0x2], $0x80, $0x38;
	[tilespmem:$0x8100] =	vst v63  }
0x274: {  	s2 =	sadd.s32 $0x3500, s1;
	s23 =	sadd.s32 $0x1680, s0  }
0x275: {  	[hbm4b:s23+s3] =	stream.linear.scatter [tilespmem:s2], [sflag:$0x2], $0x80, $0x38;
	[tilespmem:$0x8100] =	vst v63  }
0x276: {  	s2 =	sadd.s32 $0x3900, s1;
	s23 =	sadd.s32 $0x1700, s0  }
0x277: {  	[hbm4b:s23+s3] =	stream.linear.scatter [tilespmem:s2], [sflag:$0x2], $0x80, $0x38;
	[tilespmem:$0x8100] =	vst v63  }
0x278: {  	s1 =	sadd.s32 $0x3D00, s1;
	s23 =	sadd.s32 $0x1780, s0;
	s2 =	spop (v2sf)  }
0x279: {  	[hbm4b:s23+s3] =	stream.linear.scatter [tilespmem:s1], [sflag:$0x2], $0x80, $0x38;
	[tilespmem:$0x8100] =	vst v63  }
0x27a: {  	s23 =	sshll.u32 s2, $0xB;
	s1 =	sshll.u32 s2, $0x7  }
0x27b: {  	s2 =	sand.u32 $0xFFFFC000, s23;
	s1 =	sand.u32 $0x380, s1  }
0x27c: {  	s1 =	sor.u32 s1, s2  }
0x27d: {  	s23 =	sadd.s32 $0x1010, s0;
	s2 =	sadd.s32 $0x100, s1  }
0x27e: {  	[hbm4b:s23+s3] =	stream.linear.scatter [tilespmem:s2], [sflag:$0x2], $0x80, $0x38;
	[tilespmem:$0x8100] =	vst v63  }
0x27f: {  	s2 =	sadd.s32 $0x500, s1;
	s23 =	sadd.s32 $0x1090, s0  }
0x280: {  	[hbm4b:s23+s3] =	stream.linear.scatter [tilespmem:s2], [sflag:$0x2], $0x80, $0x38;
	[tilespmem:$0x8100] =	vst v63  }
0x281: {  	s2 =	sadd.s32 $0x900, s1;
	s23 =	sadd.s32 $0x1110, s0  }
0x282: {  	[hbm4b:s23+s3] =	stream.linear.scatter [tilespmem:s2], [sflag:$0x2], $0x80, $0x38;
	[tilespmem:$0x8100] =	vst v63  }
0x283: {  	s2 =	sadd.s32 $0xD00, s1;
	s23 =	sadd.s32 $0x1190, s0  }
0x284: {  	[hbm4b:s23+s3] =	stream.linear.scatter [tilespmem:s2], [sflag:$0x2], $0x80, $0x38;
	[tilespmem:$0x8100] =	vst v63  }
0x285: {  	s2 =	sadd.s32 $0x1100, s1;
	s23 =	sadd.s32 $0x1210, s0  }
0x286: {  	[hbm4b:s23+s3] =	stream.linear.scatter [tilespmem:s2], [sflag:$0x2], $0x80, $0x38;
	[tilespmem:$0x8100] =	vst v63  }
0x287: {  	s2 =	sadd.s32 $0x1500, s1;
	s23 =	sadd.s32 $0x1290, s0  }
0x288: {  	[hbm4b:s23+s3] =	stream.linear.scatter [tilespmem:s2], [sflag:$0x2], $0x80, $0x38;
	[tilespmem:$0x8100] =	vst v63  }
0x289: {  	s2 =	sadd.s32 $0x1900, s1;
	s23 =	sadd.s32 $0x1310, s0  }
0x28a: {  	[hbm4b:s23+s3] =	stream.linear.scatter [tilespmem:s2], [sflag:$0x2], $0x80, $0x38;
	[tilespmem:$0x8100] =	vst v63  }
0x28b: {  	s2 =	sadd.s32 $0x1D00, s1;
	s23 =	sadd.s32 $0x1390, s0  }
0x28c: {  	(v2sf) =	vpush v0, $0x2;
	[hbm4b:s23+s3] =	stream.linear.scatter [tilespmem:s2], [sflag:$0x2], $0x80, $0x38;
	[tilespmem:$0x8100] =	vst v63  }
0x28d: {  	s2 =	sadd.s32 $0x2100, s1;
	s23 =	sadd.s32 $0x1410, s0  }
0x28e: {  	[hbm4b:s23+s3] =	stream.linear.scatter [tilespmem:s2], [sflag:$0x2], $0x80, $0x38;
	[tilespmem:$0x8100] =	vst v63  }
0x28f: {  	s2 =	sadd.s32 $0x2500, s1;
	s23 =	sadd.s32 $0x1490, s0  }
0x290: {  	[hbm4b:s23+s3] =	stream.linear.scatter [tilespmem:s2], [sflag:$0x2], $0x80, $0x38;
	[tilespmem:$0x8100] =	vst v63  }
0x291: {  	s2 =	sadd.s32 $0x2900, s1;
	s23 =	sadd.s32 $0x1510, s0  }
0x292: {  	[hbm4b:s23+s3] =	stream.linear.scatter [tilespmem:s2], [sflag:$0x2], $0x80, $0x38;
	[tilespmem:$0x8100] =	vst v63  }
0x293: {  	s2 =	sadd.s32 $0x2D00, s1;
	s23 =	sadd.s32 $0x1590, s0  }
0x294: {  	[hbm4b:s23+s3] =	stream.linear.scatter [tilespmem:s2], [sflag:$0x2], $0x80, $0x38;
	[tilespmem:$0x8100] =	vst v63  }
0x295: {  	s2 =	sadd.s32 $0x3100, s1;
	s23 =	sadd.s32 $0x1610, s0  }
0x296: {  	[hbm4b:s23+s3] =	stream.linear.scatter [tilespmem:s2], [sflag:$0x2], $0x80, $0x38;
	[tilespmem:$0x8100] =	vst v63  }
0x297: {  	s2 =	sadd.s32 $0x3500, s1;
	s23 =	sadd.s32 $0x1690, s0  }
0x298: {  	[hbm4b:s23+s3] =	stream.linear.scatter [tilespmem:s2], [sflag:$0x2], $0x80, $0x38;
	[tilespmem:$0x8100] =	vst v63  }
0x299: {  	s2 =	sadd.s32 $0x3900, s1;
	s23 =	sadd.s32 $0x1710, s0  }
0x29a: {  	[hbm4b:s23+s3] =	stream.linear.scatter [tilespmem:s2], [sflag:$0x2], $0x80, $0x38;
	[tilespmem:$0x8100] =	vst v63  }
0x29b: {  	s1 =	sadd.s32 $0x3D00, s1;
	s23 =	sadd.s32 $0x1790, s0;
	s2 =	spop (v2sf)  }
0x29c: {  	[hbm4b:s23+s3] =	stream.linear.scatter [tilespmem:s1], [sflag:$0x2], $0x80, $0x38;
	[tilespmem:$0x8100] =	vst v63  }
0x29d: {  	s23 =	sshll.u32 s2, $0xB;
	s1 =	sshll.u32 s2, $0x7  }
0x29e: {  	s2 =	sand.u32 $0xFFFFC000, s23;
	s1 =	sand.u32 $0x380, s1  }
0x29f: {  	s1 =	sor.u32 s1, s2  }
0x2a0: {  	s23 =	sadd.s32 $0x1020, s0;
	s2 =	sadd.s32 $0x100, s1  }
0x2a1: {  	[hbm4b:s23+s3] =	stream.linear.scatter [tilespmem:s2], [sflag:$0x2], $0x80, $0x38;
	[tilespmem:$0x8100] =	vst v63  }
0x2a2: {  	s2 =	sadd.s32 $0x500, s1;
	s23 =	sadd.s32 $0x10A0, s0  }
0x2a3: {  	[hbm4b:s23+s3] =	stream.linear.scatter [tilespmem:s2], [sflag:$0x2], $0x80, $0x38;
	[tilespmem:$0x8100] =	vst v63  }
0x2a4: {  	s2 =	sadd.s32 $0x900, s1;
	s23 =	sadd.s32 $0x1120, s0  }
0x2a5: {  	[hbm4b:s23+s3] =	stream.linear.scatter [tilespmem:s2], [sflag:$0x2], $0x80, $0x38;
	[tilespmem:$0x8100] =	vst v63  }
0x2a6: {  	s2 =	sadd.s32 $0xD00, s1;
	s23 =	sadd.s32 $0x11A0, s0  }
0x2a7: {  	[hbm4b:s23+s3] =	stream.linear.scatter [tilespmem:s2], [sflag:$0x2], $0x80, $0x38;
	[tilespmem:$0x8100] =	vst v63  }
0x2a8: {  	s2 =	sadd.s32 $0x1100, s1;
	s23 =	sadd.s32 $0x1220, s0  }
0x2a9: {  	[hbm4b:s23+s3] =	stream.linear.scatter [tilespmem:s2], [sflag:$0x2], $0x80, $0x38;
	[tilespmem:$0x8100] =	vst v63  }
0x2aa: {  	s2 =	sadd.s32 $0x1500, s1;
	s23 =	sadd.s32 $0x12A0, s0  }
0x2ab: {  	[hbm4b:s23+s3] =	stream.linear.scatter [tilespmem:s2], [sflag:$0x2], $0x80, $0x38;
	[tilespmem:$0x8100] =	vst v63  }
0x2ac: {  	s2 =	sadd.s32 $0x1900, s1;
	s23 =	sadd.s32 $0x1320, s0  }
0x2ad: {  	[hbm4b:s23+s3] =	stream.linear.scatter [tilespmem:s2], [sflag:$0x2], $0x80, $0x38;
	[tilespmem:$0x8100] =	vst v63  }
0x2ae: {  	s2 =	sadd.s32 $0x1D00, s1;
	s23 =	sadd.s32 $0x13A0, s0  }
0x2af: {  	(v2sf) =	vpush v0, $0x3;
	[hbm4b:s23+s3] =	stream.linear.scatter [tilespmem:s2], [sflag:$0x2], $0x80, $0x38;
	[tilespmem:$0x8100] =	vst v63  }
0x2b0: {  	s2 =	sadd.s32 $0x2100, s1;
	s23 =	sadd.s32 $0x1420, s0  }
0x2b1: {  	[hbm4b:s23+s3] =	stream.linear.scatter [tilespmem:s2], [sflag:$0x2], $0x80, $0x38;
	[tilespmem:$0x8100] =	vst v63  }
0x2b2: {  	s2 =	sadd.s32 $0x2500, s1;
	s23 =	sadd.s32 $0x14A0, s0  }
0x2b3: {  	[hbm4b:s23+s3] =	stream.linear.scatter [tilespmem:s2], [sflag:$0x2], $0x80, $0x38;
	[tilespmem:$0x8100] =	vst v63  }
0x2b4: {  	s2 =	sadd.s32 $0x2900, s1;
	s23 =	sadd.s32 $0x1520, s0  }
0x2b5: {  	[hbm4b:s23+s3] =	stream.linear.scatter [tilespmem:s2], [sflag:$0x2], $0x80, $0x38;
	[tilespmem:$0x8100] =	vst v63  }
0x2b6: {  	s2 =	sadd.s32 $0x2D00, s1;
	s23 =	sadd.s32 $0x15A0, s0  }
0x2b7: {  	[hbm4b:s23+s3] =	stream.linear.scatter [tilespmem:s2], [sflag:$0x2], $0x80, $0x38;
	[tilespmem:$0x8100] =	vst v63  }
0x2b8: {  	s2 =	sadd.s32 $0x3100, s1;
	s23 =	sadd.s32 $0x1620, s0  }
0x2b9: {  	[hbm4b:s23+s3] =	stream.linear.scatter [tilespmem:s2], [sflag:$0x2], $0x80, $0x38;
	[tilespmem:$0x8100] =	vst v63  }
0x2ba: {  	s2 =	sadd.s32 $0x3500, s1;
	s23 =	sadd.s32 $0x16A0, s0  }
0x2bb: {  	[hbm4b:s23+s3] =	stream.linear.scatter [tilespmem:s2], [sflag:$0x2], $0x80, $0x38;
	[tilespmem:$0x8100] =	vst v63  }
0x2bc: {  	s2 =	sadd.s32 $0x3900, s1;
	s23 =	sadd.s32 $0x1720, s0  }
0x2bd: {  	[hbm4b:s23+s3] =	stream.linear.scatter [tilespmem:s2], [sflag:$0x2], $0x80, $0x38;
	[tilespmem:$0x8100] =	vst v63  }
0x2be: {  	s1 =	sadd.s32 $0x3D00, s1;
	s23 =	sadd.s32 $0x17A0, s0;
	s2 =	spop (v2sf)  }
0x2bf: {  	[hbm4b:s23+s3] =	stream.linear.scatter [tilespmem:s1], [sflag:$0x2], $0x80, $0x38;
	[tilespmem:$0x8100] =	vst v63  }
0x2c0: {  	s23 =	sshll.u32 s2, $0xB;
	s1 =	sshll.u32 s2, $0x7  }
0x2c1: {  	s2 =	sand.u32 $0xFFFFC000, s23;
	s1 =	sand.u32 $0x380, s1  }
0x2c2: {  	s1 =	sor.u32 s1, s2  }
0x2c3: {  	s23 =	sadd.s32 $0x1030, s0;
	s2 =	sadd.s32 $0x100, s1  }
0x2c4: {  	[hbm4b:s23+s3] =	stream.linear.scatter [tilespmem:s2], [sflag:$0x2], $0x80, $0x38;
	[tilespmem:$0x8100] =	vst v63  }
0x2c5: {  	s2 =	sadd.s32 $0x500, s1;
	s23 =	sadd.s32 $0x10B0, s0  }
0x2c6: {  	[hbm4b:s23+s3] =	stream.linear.scatter [tilespmem:s2], [sflag:$0x2], $0x80, $0x38;
	[tilespmem:$0x8100] =	vst v63  }
0x2c7: {  	s2 =	sadd.s32 $0x900, s1;
	s23 =	sadd.s32 $0x1130, s0  }
0x2c8: {  	[hbm4b:s23+s3] =	stream.linear.scatter [tilespmem:s2], [sflag:$0x2], $0x80, $0x38;
	[tilespmem:$0x8100] =	vst v63  }
0x2c9: {  	s2 =	sadd.s32 $0xD00, s1;
	s23 =	sadd.s32 $0x11B0, s0  }
0x2ca: {  	[hbm4b:s23+s3] =	stream.linear.scatter [tilespmem:s2], [sflag:$0x2], $0x80, $0x38;
	[tilespmem:$0x8100] =	vst v63  }
0x2cb: {  	s2 =	sadd.s32 $0x1100, s1;
	s23 =	sadd.s32 $0x1230, s0  }
0x2cc: {  	[hbm4b:s23+s3] =	stream.linear.scatter [tilespmem:s2], [sflag:$0x2], $0x80, $0x38;
	[tilespmem:$0x8100] =	vst v63  }
0x2cd: {  	s2 =	sadd.s32 $0x1500, s1;
	s23 =	sadd.s32 $0x12B0, s0  }
0x2ce: {  	[hbm4b:s23+s3] =	stream.linear.scatter [tilespmem:s2], [sflag:$0x2], $0x80, $0x38;
	[tilespmem:$0x8100] =	vst v63  }
0x2cf: {  	s2 =	sadd.s32 $0x1900, s1;
	s23 =	sadd.s32 $0x1330, s0  }
0x2d0: {  	[hbm4b:s23+s3] =	stream.linear.scatter [tilespmem:s2], [sflag:$0x2], $0x80, $0x38;
	[tilespmem:$0x8100] =	vst v63  }
0x2d1: {  	s2 =	sadd.s32 $0x1D00, s1;
	s23 =	sadd.s32 $0x13B0, s0  }
0x2d2: {  	(v2sf) =	vpush v0, $0x4;
	[hbm4b:s23+s3] =	stream.linear.scatter [tilespmem:s2], [sflag:$0x2], $0x80, $0x38;
	[tilespmem:$0x8100] =	vst v63  }
0x2d3: {  	s2 =	sadd.s32 $0x2100, s1;
	s23 =	sadd.s32 $0x1430, s0  }
0x2d4: {  	[hbm4b:s23+s3] =	stream.linear.scatter [tilespmem:s2], [sflag:$0x2], $0x80, $0x38;
	[tilespmem:$0x8100] =	vst v63  }
0x2d5: {  	s2 =	sadd.s32 $0x2500, s1;
	s23 =	sadd.s32 $0x14B0, s0  }
0x2d6: {  	[hbm4b:s23+s3] =	stream.linear.scatter [tilespmem:s2], [sflag:$0x2], $0x80, $0x38;
	[tilespmem:$0x8100] =	vst v63  }
0x2d7: {  	s2 =	sadd.s32 $0x2900, s1;
	s23 =	sadd.s32 $0x1530, s0  }
0x2d8: {  	[hbm4b:s23+s3] =	stream.linear.scatter [tilespmem:s2], [sflag:$0x2], $0x80, $0x38;
	[tilespmem:$0x8100] =	vst v63  }
0x2d9: {  	s2 =	sadd.s32 $0x2D00, s1;
	s23 =	sadd.s32 $0x15B0, s0  }
0x2da: {  	[hbm4b:s23+s3] =	stream.linear.scatter [tilespmem:s2], [sflag:$0x2], $0x80, $0x38;
	[tilespmem:$0x8100] =	vst v63  }
0x2db: {  	s2 =	sadd.s32 $0x3100, s1;
	s23 =	sadd.s32 $0x1630, s0  }
0x2dc: {  	[hbm4b:s23+s3] =	stream.linear.scatter [tilespmem:s2], [sflag:$0x2], $0x80, $0x38;
	[tilespmem:$0x8100] =	vst v63  }
0x2dd: {  	s2 =	sadd.s32 $0x3500, s1;
	s23 =	sadd.s32 $0x16B0, s0  }
0x2de: {  	[hbm4b:s23+s3] =	stream.linear.scatter [tilespmem:s2], [sflag:$0x2], $0x80, $0x38;
	[tilespmem:$0x8100] =	vst v63  }
0x2df: {  	s2 =	sadd.s32 $0x3900, s1;
	s23 =	sadd.s32 $0x1730, s0  }
0x2e0: {  	[hbm4b:s23+s3] =	stream.linear.scatter [tilespmem:s2], [sflag:$0x2], $0x80, $0x38;
	[tilespmem:$0x8100] =	vst v63  }
0x2e1: {  	s1 =	sadd.s32 $0x3D00, s1;
	s23 =	sadd.s32 $0x17B0, s0;
	s2 =	spop (v2sf)  }
0x2e2: {  	[hbm4b:s23+s3] =	stream.linear.scatter [tilespmem:s1], [sflag:$0x2], $0x80, $0x38;
	[tilespmem:$0x8100] =	vst v63  }
0x2e3: {  	s23 =	sshll.u32 s2, $0xB;
	s1 =	sshll.u32 s2, $0x7  }
0x2e4: {  	s2 =	sand.u32 $0xFFFFC000, s23;
	s1 =	sand.u32 $0x380, s1  }
0x2e5: {  	s1 =	sor.u32 s1, s2  }
0x2e6: {  	s23 =	sadd.s32 $0x1040, s0;
	s2 =	sadd.s32 $0x100, s1  }
0x2e7: {  	[hbm4b:s23+s3] =	stream.linear.scatter [tilespmem:s2], [sflag:$0x2], $0x80, $0x38;
	[tilespmem:$0x8100] =	vst v63  }
0x2e8: {  	s2 =	sadd.s32 $0x500, s1;
	s23 =	sadd.s32 $0x10C0, s0  }
0x2e9: {  	[hbm4b:s23+s3] =	stream.linear.scatter [tilespmem:s2], [sflag:$0x2], $0x80, $0x38;
	[tilespmem:$0x8100] =	vst v63  }
0x2ea: {  	s2 =	sadd.s32 $0x900, s1;
	s23 =	sadd.s32 $0x1140, s0  }
0x2eb: {  	[hbm4b:s23+s3] =	stream.linear.scatter [tilespmem:s2], [sflag:$0x2], $0x80, $0x38;
	[tilespmem:$0x8100] =	vst v63  }
0x2ec: {  	s2 =	sadd.s32 $0xD00, s1;
	s23 =	sadd.s32 $0x11C0, s0  }
0x2ed: {  	[hbm4b:s23+s3] =	stream.linear.scatter [tilespmem:s2], [sflag:$0x2], $0x80, $0x38;
	[tilespmem:$0x8100] =	vst v63  }
0x2ee: {  	s2 =	sadd.s32 $0x1100, s1;
	s23 =	sadd.s32 $0x1240, s0  }
0x2ef: {  	[hbm4b:s23+s3] =	stream.linear.scatter [tilespmem:s2], [sflag:$0x2], $0x80, $0x38;
	[tilespmem:$0x8100] =	vst v63  }
0x2f0: {  	s2 =	sadd.s32 $0x1500, s1;
	s23 =	sadd.s32 $0x12C0, s0  }
0x2f1: {  	[hbm4b:s23+s3] =	stream.linear.scatter [tilespmem:s2], [sflag:$0x2], $0x80, $0x38;
	[tilespmem:$0x8100] =	vst v63  }
0x2f2: {  	s2 =	sadd.s32 $0x1900, s1;
	s23 =	sadd.s32 $0x1340, s0  }
0x2f3: {  	[hbm4b:s23+s3] =	stream.linear.scatter [tilespmem:s2], [sflag:$0x2], $0x80, $0x38;
	[tilespmem:$0x8100] =	vst v63  }
0x2f4: {  	s2 =	sadd.s32 $0x1D00, s1;
	s23 =	sadd.s32 $0x13C0, s0  }
0x2f5: {  	(v2sf) =	vpush v0, $0x5;
	[hbm4b:s23+s3] =	stream.linear.scatter [tilespmem:s2], [sflag:$0x2], $0x80, $0x38;
	[tilespmem:$0x8100] =	vst v63  }
0x2f6: {  	s2 =	sadd.s32 $0x2100, s1;
	s23 =	sadd.s32 $0x1440, s0  }
0x2f7: {  	[hbm4b:s23+s3] =	stream.linear.scatter [tilespmem:s2], [sflag:$0x2], $0x80, $0x38;
	[tilespmem:$0x8100] =	vst v63  }
0x2f8: {  	s2 =	sadd.s32 $0x2500, s1;
	s23 =	sadd.s32 $0x14C0, s0  }
0x2f9: {  	[hbm4b:s23+s3] =	stream.linear.scatter [tilespmem:s2], [sflag:$0x2], $0x80, $0x38;
	[tilespmem:$0x8100] =	vst v63  }
0x2fa: {  	s2 =	sadd.s32 $0x2900, s1;
	s23 =	sadd.s32 $0x1540, s0  }
0x2fb: {  	[hbm4b:s23+s3] =	stream.linear.scatter [tilespmem:s2], [sflag:$0x2], $0x80, $0x38;
	[tilespmem:$0x8100] =	vst v63  }
0x2fc: {  	s2 =	sadd.s32 $0x2D00, s1;
	s23 =	sadd.s32 $0x15C0, s0  }
0x2fd: {  	[hbm4b:s23+s3] =	stream.linear.scatter [tilespmem:s2], [sflag:$0x2], $0x80, $0x38;
	[tilespmem:$0x8100] =	vst v63  }
0x2fe: {  	s2 =	sadd.s32 $0x3100, s1;
	s23 =	sadd.s32 $0x1640, s0  }
0x2ff: {  	[hbm4b:s23+s3] =	stream.linear.scatter [tilespmem:s2], [sflag:$0x2], $0x80, $0x38;
	[tilespmem:$0x8100] =	vst v63  }
0x300: {  	s2 =	sadd.s32 $0x3500, s1;
	s23 =	sadd.s32 $0x16C0, s0  }
0x301: {  	[hbm4b:s23+s3] =	stream.linear.scatter [tilespmem:s2], [sflag:$0x2], $0x80, $0x38;
	[tilespmem:$0x8100] =	vst v63  }
0x302: {  	s2 =	sadd.s32 $0x3900, s1;
	s23 =	sadd.s32 $0x1740, s0  }
0x303: {  	[hbm4b:s23+s3] =	stream.linear.scatter [tilespmem:s2], [sflag:$0x2], $0x80, $0x38;
	[tilespmem:$0x8100] =	vst v63  }
0x304: {  	s1 =	sadd.s32 $0x3D00, s1;
	s23 =	sadd.s32 $0x17C0, s0;
	s2 =	spop (v2sf)  }
0x305: {  	[hbm4b:s23+s3] =	stream.linear.scatter [tilespmem:s1], [sflag:$0x2], $0x80, $0x38;
	[tilespmem:$0x8100] =	vst v63  }
0x306: {  	s23 =	sshll.u32 s2, $0xB;
	s1 =	sshll.u32 s2, $0x7  }
0x307: {  	s2 =	sand.u32 $0xFFFFC000, s23;
	s1 =	sand.u32 $0x380, s1  }
0x308: {  	s1 =	sor.u32 s1, s2  }
0x309: {  	s23 =	sadd.s32 $0x1050, s0;
	s2 =	sadd.s32 $0x100, s1  }
0x30a: {  	[hbm4b:s23+s3] =	stream.linear.scatter [tilespmem:s2], [sflag:$0x2], $0x80, $0x38;
	[tilespmem:$0x8100] =	vst v63  }
0x30b: {  	s2 =	sadd.s32 $0x500, s1;
	s23 =	sadd.s32 $0x10D0, s0  }
0x30c: {  	[hbm4b:s23+s3] =	stream.linear.scatter [tilespmem:s2], [sflag:$0x2], $0x80, $0x38;
	[tilespmem:$0x8100] =	vst v63  }
0x30d: {  	s2 =	sadd.s32 $0x900, s1;
	s23 =	sadd.s32 $0x1150, s0  }
0x30e: {  	[hbm4b:s23+s3] =	stream.linear.scatter [tilespmem:s2], [sflag:$0x2], $0x80, $0x38;
	[tilespmem:$0x8100] =	vst v63  }
0x30f: {  	s2 =	sadd.s32 $0xD00, s1;
	s23 =	sadd.s32 $0x11D0, s0  }
0x310: {  	[hbm4b:s23+s3] =	stream.linear.scatter [tilespmem:s2], [sflag:$0x2], $0x80, $0x38;
	[tilespmem:$0x8100] =	vst v63  }
0x311: {  	s2 =	sadd.s32 $0x1100, s1;
	s23 =	sadd.s32 $0x1250, s0  }
0x312: {  	[hbm4b:s23+s3] =	stream.linear.scatter [tilespmem:s2], [sflag:$0x2], $0x80, $0x38;
	[tilespmem:$0x8100] =	vst v63  }
0x313: {  	s2 =	sadd.s32 $0x1500, s1;
	s23 =	sadd.s32 $0x12D0, s0  }
0x314: {  	[hbm4b:s23+s3] =	stream.linear.scatter [tilespmem:s2], [sflag:$0x2], $0x80, $0x38;
	[tilespmem:$0x8100] =	vst v63  }
0x315: {  	s2 =	sadd.s32 $0x1900, s1;
	s23 =	sadd.s32 $0x1350, s0  }
0x316: {  	[hbm4b:s23+s3] =	stream.linear.scatter [tilespmem:s2], [sflag:$0x2], $0x80, $0x38;
	[tilespmem:$0x8100] =	vst v63  }
0x317: {  	s2 =	sadd.s32 $0x1D00, s1;
	s23 =	sadd.s32 $0x13D0, s0  }
0x318: {  	(v2sf) =	vpush v0, $0x6;
	[hbm4b:s23+s3] =	stream.linear.scatter [tilespmem:s2], [sflag:$0x2], $0x80, $0x38;
	[tilespmem:$0x8100] =	vst v63  }
0x319: {  	s2 =	sadd.s32 $0x2100, s1;
	s23 =	sadd.s32 $0x1450, s0  }
0x31a: {  	[hbm4b:s23+s3] =	stream.linear.scatter [tilespmem:s2], [sflag:$0x2], $0x80, $0x38;
	[tilespmem:$0x8100] =	vst v63  }
0x31b: {  	s2 =	sadd.s32 $0x2500, s1;
	s23 =	sadd.s32 $0x14D0, s0  }
0x31c: {  	[hbm4b:s23+s3] =	stream.linear.scatter [tilespmem:s2], [sflag:$0x2], $0x80, $0x38;
	[tilespmem:$0x8100] =	vst v63  }
0x31d: {  	s2 =	sadd.s32 $0x2900, s1;
	s23 =	sadd.s32 $0x1550, s0  }
0x31e: {  	[hbm4b:s23+s3] =	stream.linear.scatter [tilespmem:s2], [sflag:$0x2], $0x80, $0x38;
	[tilespmem:$0x8100] =	vst v63  }
0x31f: {  	s2 =	sadd.s32 $0x2D00, s1;
	s23 =	sadd.s32 $0x15D0, s0  }
0x320: {  	[hbm4b:s23+s3] =	stream.linear.scatter [tilespmem:s2], [sflag:$0x2], $0x80, $0x38;
	[tilespmem:$0x8100] =	vst v63  }
0x321: {  	s2 =	sadd.s32 $0x3100, s1;
	s23 =	sadd.s32 $0x1650, s0  }
0x322: {  	[hbm4b:s23+s3] =	stream.linear.scatter [tilespmem:s2], [sflag:$0x2], $0x80, $0x38;
	[tilespmem:$0x8100] =	vst v63  }
0x323: {  	s2 =	sadd.s32 $0x3500, s1;
	s23 =	sadd.s32 $0x16D0, s0  }
0x324: {  	[hbm4b:s23+s3] =	stream.linear.scatter [tilespmem:s2], [sflag:$0x2], $0x80, $0x38;
	[tilespmem:$0x8100] =	vst v63  }
0x325: {  	s2 =	sadd.s32 $0x3900, s1;
	s23 =	sadd.s32 $0x1750, s0  }
0x326: {  	[hbm4b:s23+s3] =	stream.linear.scatter [tilespmem:s2], [sflag:$0x2], $0x80, $0x38;
	[tilespmem:$0x8100] =	vst v63  }
0x327: {  	s1 =	sadd.s32 $0x3D00, s1;
	s23 =	sadd.s32 $0x17D0, s0;
	s2 =	spop (v2sf)  }
0x328: {  	[hbm4b:s23+s3] =	stream.linear.scatter [tilespmem:s1], [sflag:$0x2], $0x80, $0x38;
	[tilespmem:$0x8100] =	vst v63  }
0x329: {  	s23 =	sshll.u32 s2, $0xB;
	s1 =	sshll.u32 s2, $0x7  }
0x32a: {  	s2 =	sand.u32 $0xFFFFC000, s23;
	s1 =	sand.u32 $0x380, s1  }
0x32b: {  	s1 =	sor.u32 s1, s2  }
0x32c: {  	s23 =	sadd.s32 $0x1060, s0;
	s2 =	sadd.s32 $0x100, s1  }
0x32d: {  	[hbm4b:s23+s3] =	stream.linear.scatter [tilespmem:s2], [sflag:$0x2], $0x80, $0x38;
	[tilespmem:$0x8100] =	vst v63  }
0x32e: {  	s2 =	sadd.s32 $0x500, s1;
	s23 =	sadd.s32 $0x10E0, s0  }
0x32f: {  	[hbm4b:s23+s3] =	stream.linear.scatter [tilespmem:s2], [sflag:$0x2], $0x80, $0x38;
	[tilespmem:$0x8100] =	vst v63  }
0x330: {  	s2 =	sadd.s32 $0x900, s1;
	s23 =	sadd.s32 $0x1160, s0  }
0x331: {  	[hbm4b:s23+s3] =	stream.linear.scatter [tilespmem:s2], [sflag:$0x2], $0x80, $0x38;
	[tilespmem:$0x8100] =	vst v63  }
0x332: {  	s2 =	sadd.s32 $0xD00, s1;
	s23 =	sadd.s32 $0x11E0, s0  }
0x333: {  	[hbm4b:s23+s3] =	stream.linear.scatter [tilespmem:s2], [sflag:$0x2], $0x80, $0x38;
	[tilespmem:$0x8100] =	vst v63  }
0x334: {  	s2 =	sadd.s32 $0x1100, s1;
	s23 =	sadd.s32 $0x1260, s0  }
0x335: {  	[hbm4b:s23+s3] =	stream.linear.scatter [tilespmem:s2], [sflag:$0x2], $0x80, $0x38;
	[tilespmem:$0x8100] =	vst v63  }
0x336: {  	s2 =	sadd.s32 $0x1500, s1;
	s23 =	sadd.s32 $0x12E0, s0  }
0x337: {  	[hbm4b:s23+s3] =	stream.linear.scatter [tilespmem:s2], [sflag:$0x2], $0x80, $0x38;
	[tilespmem:$0x8100] =	vst v63  }
0x338: {  	s2 =	sadd.s32 $0x1900, s1;
	s23 =	sadd.s32 $0x1360, s0  }
0x339: {  	[hbm4b:s23+s3] =	stream.linear.scatter [tilespmem:s2], [sflag:$0x2], $0x80, $0x38;
	[tilespmem:$0x8100] =	vst v63  }
0x33a: {  	s2 =	sadd.s32 $0x1D00, s1;
	s23 =	sadd.s32 $0x13E0, s0  }
0x33b: {  	(v2sf) =	vpush v0, $0x7;
	[hbm4b:s23+s3] =	stream.linear.scatter [tilespmem:s2], [sflag:$0x2], $0x80, $0x38;
	[tilespmem:$0x8100] =	vst v63  }
0x33c: {  	s2 =	sadd.s32 $0x2100, s1;
	s23 =	sadd.s32 $0x1460, s0  }
0x33d: {  	[hbm4b:s23+s3] =	stream.linear.scatter [tilespmem:s2], [sflag:$0x2], $0x80, $0x38;
	[tilespmem:$0x8100] =	vst v63  }
0x33e: {  	s2 =	sadd.s32 $0x2500, s1;
	s23 =	sadd.s32 $0x14E0, s0  }
0x33f: {  	[hbm4b:s23+s3] =	stream.linear.scatter [tilespmem:s2], [sflag:$0x2], $0x80, $0x38;
	[tilespmem:$0x8100] =	vst v63  }
0x340: {  	s2 =	sadd.s32 $0x2900, s1;
	s23 =	sadd.s32 $0x1560, s0  }
0x341: {  	[hbm4b:s23+s3] =	stream.linear.scatter [tilespmem:s2], [sflag:$0x2], $0x80, $0x38;
	[tilespmem:$0x8100] =	vst v63  }
0x342: {  	s2 =	sadd.s32 $0x2D00, s1;
	s23 =	sadd.s32 $0x15E0, s0  }
0x343: {  	[hbm4b:s23+s3] =	stream.linear.scatter [tilespmem:s2], [sflag:$0x2], $0x80, $0x38;
	[tilespmem:$0x8100] =	vst v63  }
0x344: {  	s2 =	sadd.s32 $0x3100, s1;
	s23 =	sadd.s32 $0x1660, s0  }
0x345: {  	[hbm4b:s23+s3] =	stream.linear.scatter [tilespmem:s2], [sflag:$0x2], $0x80, $0x38;
	[tilespmem:$0x8100] =	vst v63  }
0x346: {  	s2 =	sadd.s32 $0x3500, s1;
	s23 =	sadd.s32 $0x16E0, s0  }
0x347: {  	[hbm4b:s23+s3] =	stream.linear.scatter [tilespmem:s2], [sflag:$0x2], $0x80, $0x38;
	[tilespmem:$0x8100] =	vst v63  }
0x348: {  	s2 =	sadd.s32 $0x3900, s1;
	s23 =	sadd.s32 $0x1760, s0  }
0x349: {  	[hbm4b:s23+s3] =	stream.linear.scatter [tilespmem:s2], [sflag:$0x2], $0x80, $0x38;
	[tilespmem:$0x8100] =	vst v63  }
0x34a: {  	s1 =	sadd.s32 $0x3D00, s1;
	s23 =	sadd.s32 $0x17E0, s0;
	s2 =	spop (v2sf)  }
0x34b: {  	[hbm4b:s23+s3] =	stream.linear.scatter [tilespmem:s1], [sflag:$0x2], $0x80, $0x38;
	[tilespmem:$0x8100] =	vst v63  }
0x34c: {  	s23 =	sshll.u32 s2, $0xB;
	s1 =	sshll.u32 s2, $0x7  }
0x34d: {  	s2 =	sand.u32 $0xFFFFC000, s23;
	s1 =	sand.u32 $0x380, s1  }
0x34e: {  	s1 =	sor.u32 s1, s2  }
0x34f: {  	s23 =	sadd.s32 $0x1070, s0;
	s2 =	sadd.s32 $0x100, s1  }
0x350: {  	[hbm4b:s23+s3] =	stream.linear.scatter [tilespmem:s2], [sflag:$0x2], $0x80, $0x38;
	[tilespmem:$0x8100] =	vst v63  }
0x351: {  	s2 =	sadd.s32 $0x500, s1;
	s23 =	sadd.s32 $0x10F0, s0  }
0x352: {  	[hbm4b:s23+s3] =	stream.linear.scatter [tilespmem:s2], [sflag:$0x2], $0x80, $0x38;
	[tilespmem:$0x8100] =	vst v63  }
0x353: {  	s2 =	sadd.s32 $0x900, s1;
	s23 =	sadd.s32 $0x1170, s0  }
0x354: {  	[hbm4b:s23+s3] =	stream.linear.scatter [tilespmem:s2], [sflag:$0x2], $0x80, $0x38;
	[tilespmem:$0x8100] =	vst v63  }
0x355: {  	s2 =	sadd.s32 $0xD00, s1;
	s23 =	sadd.s32 $0x11F0, s0  }
0x356: {  	[hbm4b:s23+s3] =	stream.linear.scatter [tilespmem:s2], [sflag:$0x2], $0x80, $0x38;
	[tilespmem:$0x8100] =	vst v63  }
0x357: {  	s2 =	sadd.s32 $0x1100, s1;
	s23 =	sadd.s32 $0x1270, s0  }
0x358: {  	[hbm4b:s23+s3] =	stream.linear.scatter [tilespmem:s2], [sflag:$0x2], $0x80, $0x38;
	[tilespmem:$0x8100] =	vst v63  }
0x359: {  	s2 =	sadd.s32 $0x1500, s1;
	s23 =	sadd.s32 $0x12F0, s0  }
0x35a: {  	[hbm4b:s23+s3] =	stream.linear.scatter [tilespmem:s2], [sflag:$0x2], $0x80, $0x38;
	[tilespmem:$0x8100] =	vst v63  }
0x35b: {  	s2 =	sadd.s32 $0x1900, s1;
	s23 =	sadd.s32 $0x1370, s0  }
0x35c: {  	[hbm4b:s23+s3] =	stream.linear.scatter [tilespmem:s2], [sflag:$0x2], $0x80, $0x38;
	[tilespmem:$0x8100] =	vst v63  }
0x35d: {  	s2 =	sadd.s32 $0x1D00, s1;
	s23 =	sadd.s32 $0x13F0, s0  }
0x35e: {  	[hbm4b:s23+s3] =	stream.linear.scatter [tilespmem:s2], [sflag:$0x2], $0x80, $0x38;
	[tilespmem:$0x8100] =	vst v63  }
0x35f: {  	s2 =	sadd.s32 $0x2100, s1;
	s23 =	sadd.s32 $0x1470, s0  }
0x360: {  	[hbm4b:s23+s3] =	stream.linear.scatter [tilespmem:s2], [sflag:$0x2], $0x80, $0x38;
	[tilespmem:$0x8100] =	vst v63  }
0x361: {  	s2 =	sadd.s32 $0x2500, s1;
	s23 =	sadd.s32 $0x14F0, s0  }
0x362: {  	[hbm4b:s23+s3] =	stream.linear.scatter [tilespmem:s2], [sflag:$0x2], $0x80, $0x38;
	[tilespmem:$0x8100] =	vst v63  }
0x363: {  	s2 =	sadd.s32 $0x2900, s1;
	s23 =	sadd.s32 $0x1570, s0  }
0x364: {  	[hbm4b:s23+s3] =	stream.linear.scatter [tilespmem:s2], [sflag:$0x2], $0x80, $0x38;
	[tilespmem:$0x8100] =	vst v63  }
0x365: {  	s2 =	sadd.s32 $0x2D00, s1;
	s23 =	sadd.s32 $0x15F0, s0  }
0x366: {  	[hbm4b:s23+s3] =	stream.linear.scatter [tilespmem:s2], [sflag:$0x2], $0x80, $0x38;
	[tilespmem:$0x8100] =	vst v63  }
0x367: {  	s2 =	sadd.s32 $0x3100, s1;
	s23 =	sadd.s32 $0x1670, s0  }
0x368: {  	[hbm4b:s23+s3] =	stream.linear.scatter [tilespmem:s2], [sflag:$0x2], $0x80, $0x38;
	[tilespmem:$0x8100] =	vst v63  }
0x369: {  	s2 =	sadd.s32 $0x3500, s1;
	s23 =	sadd.s32 $0x16F0, s0  }
0x36a: {  	[hbm4b:s23+s3] =	stream.linear.scatter [tilespmem:s2], [sflag:$0x2], $0x80, $0x38;
	[tilespmem:$0x8100] =	vst v63  }
0x36b: {  	s2 =	sadd.s32 $0x3900, s1;
	s23 =	sadd.s32 $0x1770, s0  }
0x36c: {  	[hbm4b:s23+s3] =	stream.linear.scatter [tilespmem:s2], [sflag:$0x2], $0x80, $0x38;
	[tilespmem:$0x8100] =	vst v63  }
0x36d: {  	s1 =	sadd.s32 $0x3D00, s1;
	s23 =	sadd.s32 $0x17F0, s0  }
0x36e: {  	[hbm4b:s23+s3] =	stream.linear.scatter [tilespmem:s1], [sflag:$0x2], $0x80, $0x38;
	[tilespmem:$0x8100] =	vst v63  }
0x36f: {  	_ =	swait.ge [sflag:s28], $0x800  }
0x370: {  	[sflag:s28] =	ssyncset.done $0x0  }
0x371: {  	[sflag:s28] =	ssyncadd.s32 $0xFFFFF800  }
0x372: {  	v63 =	vld [tilespmem:s30+$0x0];
	_ =	sdelay $0x4  }
0x373: {  	(v2sf) =	vpush v63, $0x8;
	_ =	sdelay $0xe  }
0x374: {  	s2 =	spop (v2sf)  }
0x375: {  	s23 =	sshll.u32 s2, $0xB;
	s1 =	sshll.u32 s2, $0x7  }
0x376: {  	s2 =	sand.u32 $0xFFFFC000, s23;
	s1 =	sand.u32 $0x380, s1  }
0x377: {  	s1 =	sor.u32 s1, s2  }
0x378: {  	s23 =	sadd.s32 $0x1800, s0;
	s2 =	sadd.s32 $0x100, s1  }
0x379: {  	[hbm4b:s23+s3] =	stream.linear.scatter [tilespmem:s2], [sflag:$0x3], $0x80, $0x38;
	[tilespmem:$0x8100] =	vst v63  }
0x37a: {  	s2 =	sadd.s32 $0x500, s1;
	s23 =	sadd.s32 $0x1880, s0  }
0x37b: {  	[hbm4b:s23+s3] =	stream.linear.scatter [tilespmem:s2], [sflag:$0x3], $0x80, $0x38;
	[tilespmem:$0x8100] =	vst v63  }
0x37c: {  	s2 =	sadd.s32 $0x900, s1;
	s23 =	sadd.s32 $0x1900, s0  }
0x37d: {  	[hbm4b:s23+s3] =	stream.linear.scatter [tilespmem:s2], [sflag:$0x3], $0x80, $0x38;
	[tilespmem:$0x8100] =	vst v63  }
0x37e: {  	s2 =	sadd.s32 $0xD00, s1;
	s23 =	sadd.s32 $0x1980, s0  }
0x37f: {  	[hbm4b:s23+s3] =	stream.linear.scatter [tilespmem:s2], [sflag:$0x3], $0x80, $0x38;
	[tilespmem:$0x8100] =	vst v63  }
0x380: {  	s2 =	sadd.s32 $0x1100, s1;
	s23 =	sadd.s32 $0x1A00, s0  }
0x381: {  	[hbm4b:s23+s3] =	stream.linear.scatter [tilespmem:s2], [sflag:$0x3], $0x80, $0x38;
	[tilespmem:$0x8100] =	vst v63  }
0x382: {  	s2 =	sadd.s32 $0x1500, s1;
	s23 =	sadd.s32 $0x1A80, s0  }
0x383: {  	[hbm4b:s23+s3] =	stream.linear.scatter [tilespmem:s2], [sflag:$0x3], $0x80, $0x38;
	[tilespmem:$0x8100] =	vst v63  }
0x384: {  	s2 =	sadd.s32 $0x1900, s1;
	s23 =	sadd.s32 $0x1B00, s0  }
0x385: {  	[hbm4b:s23+s3] =	stream.linear.scatter [tilespmem:s2], [sflag:$0x3], $0x80, $0x38;
	[tilespmem:$0x8100] =	vst v63  }
0x386: {  	s2 =	sadd.s32 $0x1D00, s1;
	s23 =	sadd.s32 $0x1B80, s0  }
0x387: {  	(v2sf) =	vpush v63, $0x9;
	[hbm4b:s23+s3] =	stream.linear.scatter [tilespmem:s2], [sflag:$0x3], $0x80, $0x38;
	[tilespmem:$0x8100] =	vst v63  }
0x388: {  	s2 =	sadd.s32 $0x2100, s1;
	s23 =	sadd.s32 $0x1C00, s0  }
0x389: {  	[hbm4b:s23+s3] =	stream.linear.scatter [tilespmem:s2], [sflag:$0x3], $0x80, $0x38;
	[tilespmem:$0x8100] =	vst v63  }
0x38a: {  	s2 =	sadd.s32 $0x2500, s1;
	s23 =	sadd.s32 $0x1C80, s0  }
0x38b: {  	[hbm4b:s23+s3] =	stream.linear.scatter [tilespmem:s2], [sflag:$0x3], $0x80, $0x38;
	[tilespmem:$0x8100] =	vst v63  }
0x38c: {  	s2 =	sadd.s32 $0x2900, s1;
	s23 =	sadd.s32 $0x1D00, s0  }
0x38d: {  	[hbm4b:s23+s3] =	stream.linear.scatter [tilespmem:s2], [sflag:$0x3], $0x80, $0x38;
	[tilespmem:$0x8100] =	vst v63  }
0x38e: {  	s2 =	sadd.s32 $0x2D00, s1;
	s23 =	sadd.s32 $0x1D80, s0  }
0x38f: {  	[hbm4b:s23+s3] =	stream.linear.scatter [tilespmem:s2], [sflag:$0x3], $0x80, $0x38;
	[tilespmem:$0x8100] =	vst v63  }
0x390: {  	s2 =	sadd.s32 $0x3100, s1;
	s23 =	sadd.s32 $0x1E00, s0  }
0x391: {  	[hbm4b:s23+s3] =	stream.linear.scatter [tilespmem:s2], [sflag:$0x3], $0x80, $0x38;
	[tilespmem:$0x8100] =	vst v63  }
0x392: {  	s2 =	sadd.s32 $0x3500, s1;
	s23 =	sadd.s32 $0x1E80, s0  }
0x393: {  	[hbm4b:s23+s3] =	stream.linear.scatter [tilespmem:s2], [sflag:$0x3], $0x80, $0x38;
	[tilespmem:$0x8100] =	vst v63  }
0x394: {  	s2 =	sadd.s32 $0x3900, s1;
	s23 =	sadd.s32 $0x1F00, s0  }
0x395: {  	[hbm4b:s23+s3] =	stream.linear.scatter [tilespmem:s2], [sflag:$0x3], $0x80, $0x38;
	[tilespmem:$0x8100] =	vst v63  }
0x396: {  	s1 =	sadd.s32 $0x3D00, s1;
	s23 =	sadd.s32 $0x1F80, s0;
	s2 =	spop (v2sf)  }
0x397: {  	[hbm4b:s23+s3] =	stream.linear.scatter [tilespmem:s1], [sflag:$0x3], $0x80, $0x38;
	[tilespmem:$0x8100] =	vst v63  }
0x398: {  	s23 =	sshll.u32 s2, $0xB;
	s1 =	sshll.u32 s2, $0x7  }
0x399: {  	s2 =	sand.u32 $0xFFFFC000, s23;
	s1 =	sand.u32 $0x380, s1  }
0x39a: {  	s1 =	sor.u32 s1, s2  }
0x39b: {  	s23 =	sadd.s32 $0x1810, s0;
	s2 =	sadd.s32 $0x100, s1  }
0x39c: {  	[hbm4b:s23+s3] =	stream.linear.scatter [tilespmem:s2], [sflag:$0x3], $0x80, $0x38;
	[tilespmem:$0x8100] =	vst v63  }
0x39d: {  	s2 =	sadd.s32 $0x500, s1;
	s23 =	sadd.s32 $0x1890, s0  }
0x39e: {  	[hbm4b:s23+s3] =	stream.linear.scatter [tilespmem:s2], [sflag:$0x3], $0x80, $0x38;
	[tilespmem:$0x8100] =	vst v63  }
0x39f: {  	s2 =	sadd.s32 $0x900, s1;
	s23 =	sadd.s32 $0x1910, s0  }
0x3a0: {  	[hbm4b:s23+s3] =	stream.linear.scatter [tilespmem:s2], [sflag:$0x3], $0x80, $0x38;
	[tilespmem:$0x8100] =	vst v63  }
0x3a1: {  	s2 =	sadd.s32 $0xD00, s1;
	s23 =	sadd.s32 $0x1990, s0  }
0x3a2: {  	[hbm4b:s23+s3] =	stream.linear.scatter [tilespmem:s2], [sflag:$0x3], $0x80, $0x38;
	[tilespmem:$0x8100] =	vst v63  }
0x3a3: {  	s2 =	sadd.s32 $0x1100, s1;
	s23 =	sadd.s32 $0x1A10, s0  }
0x3a4: {  	[hbm4b:s23+s3] =	stream.linear.scatter [tilespmem:s2], [sflag:$0x3], $0x80, $0x38;
	[tilespmem:$0x8100] =	vst v63  }
0x3a5: {  	s2 =	sadd.s32 $0x1500, s1;
	s23 =	sadd.s32 $0x1A90, s0  }
0x3a6: {  	[hbm4b:s23+s3] =	stream.linear.scatter [tilespmem:s2], [sflag:$0x3], $0x80, $0x38;
	[tilespmem:$0x8100] =	vst v63  }
0x3a7: {  	s2 =	sadd.s32 $0x1900, s1;
	s23 =	sadd.s32 $0x1B10, s0  }
0x3a8: {  	[hbm4b:s23+s3] =	stream.linear.scatter [tilespmem:s2], [sflag:$0x3], $0x80, $0x38;
	[tilespmem:$0x8100] =	vst v63  }
0x3a9: {  	s2 =	sadd.s32 $0x1D00, s1;
	s23 =	sadd.s32 $0x1B90, s0  }
0x3aa: {  	(v2sf) =	vpush v63, $0xA;
	[hbm4b:s23+s3] =	stream.linear.scatter [tilespmem:s2], [sflag:$0x3], $0x80, $0x38;
	[tilespmem:$0x8100] =	vst v63  }
0x3ab: {  	s2 =	sadd.s32 $0x2100, s1;
	s23 =	sadd.s32 $0x1C10, s0  }
0x3ac: {  	[hbm4b:s23+s3] =	stream.linear.scatter [tilespmem:s2], [sflag:$0x3], $0x80, $0x38;
	[tilespmem:$0x8100] =	vst v63  }
0x3ad: {  	s2 =	sadd.s32 $0x2500, s1;
	s23 =	sadd.s32 $0x1C90, s0  }
0x3ae: {  	[hbm4b:s23+s3] =	stream.linear.scatter [tilespmem:s2], [sflag:$0x3], $0x80, $0x38;
	[tilespmem:$0x8100] =	vst v63  }
0x3af: {  	s2 =	sadd.s32 $0x2900, s1;
	s23 =	sadd.s32 $0x1D10, s0  }
0x3b0: {  	[hbm4b:s23+s3] =	stream.linear.scatter [tilespmem:s2], [sflag:$0x3], $0x80, $0x38;
	[tilespmem:$0x8100] =	vst v63  }
0x3b1: {  	s2 =	sadd.s32 $0x2D00, s1;
	s23 =	sadd.s32 $0x1D90, s0  }
0x3b2: {  	[hbm4b:s23+s3] =	stream.linear.scatter [tilespmem:s2], [sflag:$0x3], $0x80, $0x38;
	[tilespmem:$0x8100] =	vst v63  }
0x3b3: {  	s2 =	sadd.s32 $0x3100, s1;
	s23 =	sadd.s32 $0x1E10, s0  }
0x3b4: {  	[hbm4b:s23+s3] =	stream.linear.scatter [tilespmem:s2], [sflag:$0x3], $0x80, $0x38;
	[tilespmem:$0x8100] =	vst v63  }
0x3b5: {  	s2 =	sadd.s32 $0x3500, s1;
	s23 =	sadd.s32 $0x1E90, s0  }
0x3b6: {  	[hbm4b:s23+s3] =	stream.linear.scatter [tilespmem:s2], [sflag:$0x3], $0x80, $0x38;
	[tilespmem:$0x8100] =	vst v63  }
0x3b7: {  	s2 =	sadd.s32 $0x3900, s1;
	s23 =	sadd.s32 $0x1F10, s0  }
0x3b8: {  	[hbm4b:s23+s3] =	stream.linear.scatter [tilespmem:s2], [sflag:$0x3], $0x80, $0x38;
	[tilespmem:$0x8100] =	vst v63  }
0x3b9: {  	s1 =	sadd.s32 $0x3D00, s1;
	s23 =	sadd.s32 $0x1F90, s0;
	s2 =	spop (v2sf)  }
0x3ba: {  	[hbm4b:s23+s3] =	stream.linear.scatter [tilespmem:s1], [sflag:$0x3], $0x80, $0x38;
	[tilespmem:$0x8100] =	vst v63  }
0x3bb: {  	s23 =	sshll.u32 s2, $0xB;
	s1 =	sshll.u32 s2, $0x7  }
0x3bc: {  	s2 =	sand.u32 $0xFFFFC000, s23;
	s1 =	sand.u32 $0x380, s1  }
0x3bd: {  	s1 =	sor.u32 s1, s2  }
0x3be: {  	s23 =	sadd.s32 $0x1820, s0;
	s2 =	sadd.s32 $0x100, s1  }
0x3bf: {  	[hbm4b:s23+s3] =	stream.linear.scatter [tilespmem:s2], [sflag:$0x3], $0x80, $0x38;
	[tilespmem:$0x8100] =	vst v63  }
0x3c0: {  	s2 =	sadd.s32 $0x500, s1;
	s23 =	sadd.s32 $0x18A0, s0  }
0x3c1: {  	[hbm4b:s23+s3] =	stream.linear.scatter [tilespmem:s2], [sflag:$0x3], $0x80, $0x38;
	[tilespmem:$0x8100] =	vst v63  }
0x3c2: {  	s2 =	sadd.s32 $0x900, s1;
	s23 =	sadd.s32 $0x1920, s0  }
0x3c3: {  	[hbm4b:s23+s3] =	stream.linear.scatter [tilespmem:s2], [sflag:$0x3], $0x80, $0x38;
	[tilespmem:$0x8100] =	vst v63  }
0x3c4: {  	s2 =	sadd.s32 $0xD00, s1;
	s23 =	sadd.s32 $0x19A0, s0  }
0x3c5: {  	[hbm4b:s23+s3] =	stream.linear.scatter [tilespmem:s2], [sflag:$0x3], $0x80, $0x38;
	[tilespmem:$0x8100] =	vst v63  }
0x3c6: {  	s2 =	sadd.s32 $0x1100, s1;
	s23 =	sadd.s32 $0x1A20, s0  }
0x3c7: {  	[hbm4b:s23+s3] =	stream.linear.scatter [tilespmem:s2], [sflag:$0x3], $0x80, $0x38;
	[tilespmem:$0x8100] =	vst v63  }
0x3c8: {  	s2 =	sadd.s32 $0x1500, s1;
	s23 =	sadd.s32 $0x1AA0, s0  }
0x3c9: {  	[hbm4b:s23+s3] =	stream.linear.scatter [tilespmem:s2], [sflag:$0x3], $0x80, $0x38;
	[tilespmem:$0x8100] =	vst v63  }
0x3ca: {  	s2 =	sadd.s32 $0x1900, s1;
	s23 =	sadd.s32 $0x1B20, s0  }
0x3cb: {  	[hbm4b:s23+s3] =	stream.linear.scatter [tilespmem:s2], [sflag:$0x3], $0x80, $0x38;
	[tilespmem:$0x8100] =	vst v63  }
0x3cc: {  	s2 =	sadd.s32 $0x1D00, s1;
	s23 =	sadd.s32 $0x1BA0, s0  }
0x3cd: {  	(v2sf) =	vpush v63, $0xB;
	[hbm4b:s23+s3] =	stream.linear.scatter [tilespmem:s2], [sflag:$0x3], $0x80, $0x38;
	[tilespmem:$0x8100] =	vst v63  }
0x3ce: {  	s2 =	sadd.s32 $0x2100, s1;
	s23 =	sadd.s32 $0x1C20, s0  }
0x3cf: {  	[hbm4b:s23+s3] =	stream.linear.scatter [tilespmem:s2], [sflag:$0x3], $0x80, $0x38;
	[tilespmem:$0x8100] =	vst v63  }
0x3d0: {  	s2 =	sadd.s32 $0x2500, s1;
	s23 =	sadd.s32 $0x1CA0, s0  }
0x3d1: {  	[hbm4b:s23+s3] =	stream.linear.scatter [tilespmem:s2], [sflag:$0x3], $0x80, $0x38;
	[tilespmem:$0x8100] =	vst v63  }
0x3d2: {  	s2 =	sadd.s32 $0x2900, s1;
	s23 =	sadd.s32 $0x1D20, s0  }
0x3d3: {  	[hbm4b:s23+s3] =	stream.linear.scatter [tilespmem:s2], [sflag:$0x3], $0x80, $0x38;
	[tilespmem:$0x8100] =	vst v63  }
0x3d4: {  	s2 =	sadd.s32 $0x2D00, s1;
	s23 =	sadd.s32 $0x1DA0, s0  }
0x3d5: {  	[hbm4b:s23+s3] =	stream.linear.scatter [tilespmem:s2], [sflag:$0x3], $0x80, $0x38;
	[tilespmem:$0x8100] =	vst v63  }
0x3d6: {  	s2 =	sadd.s32 $0x3100, s1;
	s23 =	sadd.s32 $0x1E20, s0  }
0x3d7: {  	[hbm4b:s23+s3] =	stream.linear.scatter [tilespmem:s2], [sflag:$0x3], $0x80, $0x38;
	[tilespmem:$0x8100] =	vst v63  }
0x3d8: {  	s2 =	sadd.s32 $0x3500, s1;
	s23 =	sadd.s32 $0x1EA0, s0  }
0x3d9: {  	[hbm4b:s23+s3] =	stream.linear.scatter [tilespmem:s2], [sflag:$0x3], $0x80, $0x38;
	[tilespmem:$0x8100] =	vst v63  }
0x3da: {  	s2 =	sadd.s32 $0x3900, s1;
	s23 =	sadd.s32 $0x1F20, s0  }
0x3db: {  	[hbm4b:s23+s3] =	stream.linear.scatter [tilespmem:s2], [sflag:$0x3], $0x80, $0x38;
	[tilespmem:$0x8100] =	vst v63  }
0x3dc: {  	s1 =	sadd.s32 $0x3D00, s1;
	s23 =	sadd.s32 $0x1FA0, s0;
	s2 =	spop (v2sf)  }
0x3dd: {  	[hbm4b:s23+s3] =	stream.linear.scatter [tilespmem:s1], [sflag:$0x3], $0x80, $0x38;
	[tilespmem:$0x8100] =	vst v63  }
0x3de: {  	s23 =	sshll.u32 s2, $0xB;
	s1 =	sshll.u32 s2, $0x7  }
0x3df: {  	s2 =	sand.u32 $0xFFFFC000, s23;
	s1 =	sand.u32 $0x380, s1  }
0x3e0: {  	s1 =	sor.u32 s1, s2  }
0x3e1: {  	s23 =	sadd.s32 $0x1830, s0;
	s2 =	sadd.s32 $0x100, s1  }
0x3e2: {  	[hbm4b:s23+s3] =	stream.linear.scatter [tilespmem:s2], [sflag:$0x3], $0x80, $0x38;
	[tilespmem:$0x8100] =	vst v63  }
0x3e3: {  	s2 =	sadd.s32 $0x500, s1;
	s23 =	sadd.s32 $0x18B0, s0  }
0x3e4: {  	[hbm4b:s23+s3] =	stream.linear.scatter [tilespmem:s2], [sflag:$0x3], $0x80, $0x38;
	[tilespmem:$0x8100] =	vst v63  }
0x3e5: {  	s2 =	sadd.s32 $0x900, s1;
	s23 =	sadd.s32 $0x1930, s0  }
0x3e6: {  	[hbm4b:s23+s3] =	stream.linear.scatter [tilespmem:s2], [sflag:$0x3], $0x80, $0x38;
	[tilespmem:$0x8100] =	vst v63  }
0x3e7: {  	s2 =	sadd.s32 $0xD00, s1;
	s23 =	sadd.s32 $0x19B0, s0  }
0x3e8: {  	[hbm4b:s23+s3] =	stream.linear.scatter [tilespmem:s2], [sflag:$0x3], $0x80, $0x38;
	[tilespmem:$0x8100] =	vst v63  }
0x3e9: {  	s2 =	sadd.s32 $0x1100, s1;
	s23 =	sadd.s32 $0x1A30, s0  }
0x3ea: {  	[hbm4b:s23+s3] =	stream.linear.scatter [tilespmem:s2], [sflag:$0x3], $0x80, $0x38;
	[tilespmem:$0x8100] =	vst v63  }
0x3eb: {  	s2 =	sadd.s32 $0x1500, s1;
	s23 =	sadd.s32 $0x1AB0, s0  }
0x3ec: {  	[hbm4b:s23+s3] =	stream.linear.scatter [tilespmem:s2], [sflag:$0x3], $0x80, $0x38;
	[tilespmem:$0x8100] =	vst v63  }
0x3ed: {  	s2 =	sadd.s32 $0x1900, s1;
	s23 =	sadd.s32 $0x1B30, s0  }
0x3ee: {  	[hbm4b:s23+s3] =	stream.linear.scatter [tilespmem:s2], [sflag:$0x3], $0x80, $0x38;
	[tilespmem:$0x8100] =	vst v63  }
0x3ef: {  	s2 =	sadd.s32 $0x1D00, s1;
	s23 =	sadd.s32 $0x1BB0, s0  }
0x3f0: {  	(v2sf) =	vpush v63, $0xC;
	[hbm4b:s23+s3] =	stream.linear.scatter [tilespmem:s2], [sflag:$0x3], $0x80, $0x38;
	[tilespmem:$0x8100] =	vst v63  }
0x3f1: {  	s2 =	sadd.s32 $0x2100, s1;
	s23 =	sadd.s32 $0x1C30, s0  }
0x3f2: {  	[hbm4b:s23+s3] =	stream.linear.scatter [tilespmem:s2], [sflag:$0x3], $0x80, $0x38;
	[tilespmem:$0x8100] =	vst v63  }
0x3f3: {  	s2 =	sadd.s32 $0x2500, s1;
	s23 =	sadd.s32 $0x1CB0, s0  }
0x3f4: {  	[hbm4b:s23+s3] =	stream.linear.scatter [tilespmem:s2], [sflag:$0x3], $0x80, $0x38;
	[tilespmem:$0x8100] =	vst v63  }
0x3f5: {  	s2 =	sadd.s32 $0x2900, s1;
	s23 =	sadd.s32 $0x1D30, s0  }
0x3f6: {  	[hbm4b:s23+s3] =	stream.linear.scatter [tilespmem:s2], [sflag:$0x3], $0x80, $0x38;
	[tilespmem:$0x8100] =	vst v63  }
0x3f7: {  	s2 =	sadd.s32 $0x2D00, s1;
	s23 =	sadd.s32 $0x1DB0, s0  }
0x3f8: {  	[hbm4b:s23+s3] =	stream.linear.scatter [tilespmem:s2], [sflag:$0x3], $0x80, $0x38;
	[tilespmem:$0x8100] =	vst v63  }
0x3f9: {  	s2 =	sadd.s32 $0x3100, s1;
	s23 =	sadd.s32 $0x1E30, s0  }
0x3fa: {  	[hbm4b:s23+s3] =	stream.linear.scatter [tilespmem:s2], [sflag:$0x3], $0x80, $0x38;
	[tilespmem:$0x8100] =	vst v63  }
0x3fb: {  	s2 =	sadd.s32 $0x3500, s1;
	s23 =	sadd.s32 $0x1EB0, s0  }
0x3fc: {  	[hbm4b:s23+s3] =	stream.linear.scatter [tilespmem:s2], [sflag:$0x3], $0x80, $0x38;
	[tilespmem:$0x8100] =	vst v63  }
0x3fd: {  	s2 =	sadd.s32 $0x3900, s1;
	s23 =	sadd.s32 $0x1F30, s0  }
0x3fe: {  	[hbm4b:s23+s3] =	stream.linear.scatter [tilespmem:s2], [sflag:$0x3], $0x80, $0x38;
	[tilespmem:$0x8100] =	vst v63  }
0x3ff: {  	s1 =	sadd.s32 $0x3D00, s1;
	s23 =	sadd.s32 $0x1FB0, s0;
	s2 =	spop (v2sf)  }
0x400: {  	[hbm4b:s23+s3] =	stream.linear.scatter [tilespmem:s1], [sflag:$0x3], $0x80, $0x38;
	[tilespmem:$0x8100] =	vst v63  }
0x401: {  	s23 =	sshll.u32 s2, $0xB;
	s1 =	sshll.u32 s2, $0x7  }
0x402: {  	s2 =	sand.u32 $0xFFFFC000, s23;
	s1 =	sand.u32 $0x380, s1  }
0x403: {  	s1 =	sor.u32 s1, s2  }
0x404: {  	s23 =	sadd.s32 $0x1840, s0;
	s2 =	sadd.s32 $0x100, s1  }
0x405: {  	[hbm4b:s23+s3] =	stream.linear.scatter [tilespmem:s2], [sflag:$0x3], $0x80, $0x38;
	[tilespmem:$0x8100] =	vst v63  }
0x406: {  	s2 =	sadd.s32 $0x500, s1;
	s23 =	sadd.s32 $0x18C0, s0  }
0x407: {  	[hbm4b:s23+s3] =	stream.linear.scatter [tilespmem:s2], [sflag:$0x3], $0x80, $0x38;
	[tilespmem:$0x8100] =	vst v63  }
0x408: {  	s2 =	sadd.s32 $0x900, s1;
	s23 =	sadd.s32 $0x1940, s0  }
0x409: {  	[hbm4b:s23+s3] =	stream.linear.scatter [tilespmem:s2], [sflag:$0x3], $0x80, $0x38;
	[tilespmem:$0x8100] =	vst v63  }
0x40a: {  	s2 =	sadd.s32 $0xD00, s1;
	s23 =	sadd.s32 $0x19C0, s0  }
0x40b: {  	[hbm4b:s23+s3] =	stream.linear.scatter [tilespmem:s2], [sflag:$0x3], $0x80, $0x38;
	[tilespmem:$0x8100] =	vst v63  }
0x40c: {  	s2 =	sadd.s32 $0x1100, s1;
	s23 =	sadd.s32 $0x1A40, s0  }
0x40d: {  	[hbm4b:s23+s3] =	stream.linear.scatter [tilespmem:s2], [sflag:$0x3], $0x80, $0x38;
	[tilespmem:$0x8100] =	vst v63  }
0x40e: {  	s2 =	sadd.s32 $0x1500, s1;
	s23 =	sadd.s32 $0x1AC0, s0  }
0x40f: {  	[hbm4b:s23+s3] =	stream.linear.scatter [tilespmem:s2], [sflag:$0x3], $0x80, $0x38;
	[tilespmem:$0x8100] =	vst v63  }
0x410: {  	s2 =	sadd.s32 $0x1900, s1;
	s23 =	sadd.s32 $0x1B40, s0  }
0x411: {  	[hbm4b:s23+s3] =	stream.linear.scatter [tilespmem:s2], [sflag:$0x3], $0x80, $0x38;
	[tilespmem:$0x8100] =	vst v63  }
0x412: {  	s2 =	sadd.s32 $0x1D00, s1;
	s23 =	sadd.s32 $0x1BC0, s0  }
0x413: {  	(v2sf) =	vpush v63, $0xD;
	[hbm4b:s23+s3] =	stream.linear.scatter [tilespmem:s2], [sflag:$0x3], $0x80, $0x38;
	[tilespmem:$0x8100] =	vst v63  }
0x414: {  	s2 =	sadd.s32 $0x2100, s1;
	s23 =	sadd.s32 $0x1C40, s0  }
0x415: {  	[hbm4b:s23+s3] =	stream.linear.scatter [tilespmem:s2], [sflag:$0x3], $0x80, $0x38;
	[tilespmem:$0x8100] =	vst v63  }
0x416: {  	s2 =	sadd.s32 $0x2500, s1;
	s23 =	sadd.s32 $0x1CC0, s0  }
0x417: {  	[hbm4b:s23+s3] =	stream.linear.scatter [tilespmem:s2], [sflag:$0x3], $0x80, $0x38;
	[tilespmem:$0x8100] =	vst v63  }
0x418: {  	s2 =	sadd.s32 $0x2900, s1;
	s23 =	sadd.s32 $0x1D40, s0  }
0x419: {  	[hbm4b:s23+s3] =	stream.linear.scatter [tilespmem:s2], [sflag:$0x3], $0x80, $0x38;
	[tilespmem:$0x8100] =	vst v63  }
0x41a: {  	s2 =	sadd.s32 $0x2D00, s1;
	s23 =	sadd.s32 $0x1DC0, s0  }
0x41b: {  	[hbm4b:s23+s3] =	stream.linear.scatter [tilespmem:s2], [sflag:$0x3], $0x80, $0x38;
	[tilespmem:$0x8100] =	vst v63  }
0x41c: {  	s2 =	sadd.s32 $0x3100, s1;
	s23 =	sadd.s32 $0x1E40, s0  }
0x41d: {  	[hbm4b:s23+s3] =	stream.linear.scatter [tilespmem:s2], [sflag:$0x3], $0x80, $0x38;
	[tilespmem:$0x8100] =	vst v63  }
0x41e: {  	s2 =	sadd.s32 $0x3500, s1;
	s23 =	sadd.s32 $0x1EC0, s0  }
0x41f: {  	[hbm4b:s23+s3] =	stream.linear.scatter [tilespmem:s2], [sflag:$0x3], $0x80, $0x38;
	[tilespmem:$0x8100] =	vst v63  }
0x420: {  	s2 =	sadd.s32 $0x3900, s1;
	s23 =	sadd.s32 $0x1F40, s0  }
0x421: {  	[hbm4b:s23+s3] =	stream.linear.scatter [tilespmem:s2], [sflag:$0x3], $0x80, $0x38;
	[tilespmem:$0x8100] =	vst v63  }
0x422: {  	s1 =	sadd.s32 $0x3D00, s1;
	s23 =	sadd.s32 $0x1FC0, s0;
	s2 =	spop (v2sf)  }
0x423: {  	[hbm4b:s23+s3] =	stream.linear.scatter [tilespmem:s1], [sflag:$0x3], $0x80, $0x38;
	[tilespmem:$0x8100] =	vst v63  }
0x424: {  	s23 =	sshll.u32 s2, $0xB;
	s1 =	sshll.u32 s2, $0x7  }
0x425: {  	s2 =	sand.u32 $0xFFFFC000, s23;
	s1 =	sand.u32 $0x380, s1  }
0x426: {  	s1 =	sor.u32 s1, s2  }
0x427: {  	s23 =	sadd.s32 $0x1850, s0;
	s2 =	sadd.s32 $0x100, s1  }
0x428: {  	[hbm4b:s23+s3] =	stream.linear.scatter [tilespmem:s2], [sflag:$0x3], $0x80, $0x38;
	[tilespmem:$0x8100] =	vst v63  }
0x429: {  	s2 =	sadd.s32 $0x500, s1;
	s23 =	sadd.s32 $0x18D0, s0  }
0x42a: {  	[hbm4b:s23+s3] =	stream.linear.scatter [tilespmem:s2], [sflag:$0x3], $0x80, $0x38;
	[tilespmem:$0x8100] =	vst v63  }
0x42b: {  	s2 =	sadd.s32 $0x900, s1;
	s23 =	sadd.s32 $0x1950, s0  }
0x42c: {  	[hbm4b:s23+s3] =	stream.linear.scatter [tilespmem:s2], [sflag:$0x3], $0x80, $0x38;
	[tilespmem:$0x8100] =	vst v63  }
0x42d: {  	s2 =	sadd.s32 $0xD00, s1;
	s23 =	sadd.s32 $0x19D0, s0  }
0x42e: {  	[hbm4b:s23+s3] =	stream.linear.scatter [tilespmem:s2], [sflag:$0x3], $0x80, $0x38;
	[tilespmem:$0x8100] =	vst v63  }
0x42f: {  	s2 =	sadd.s32 $0x1100, s1;
	s23 =	sadd.s32 $0x1A50, s0  }
0x430: {  	[hbm4b:s23+s3] =	stream.linear.scatter [tilespmem:s2], [sflag:$0x3], $0x80, $0x38;
	[tilespmem:$0x8100] =	vst v63  }
0x431: {  	s2 =	sadd.s32 $0x1500, s1;
	s23 =	sadd.s32 $0x1AD0, s0  }
0x432: {  	[hbm4b:s23+s3] =	stream.linear.scatter [tilespmem:s2], [sflag:$0x3], $0x80, $0x38;
	[tilespmem:$0x8100] =	vst v63  }
0x433: {  	s2 =	sadd.s32 $0x1900, s1;
	s23 =	sadd.s32 $0x1B50, s0  }
0x434: {  	[hbm4b:s23+s3] =	stream.linear.scatter [tilespmem:s2], [sflag:$0x3], $0x80, $0x38;
	[tilespmem:$0x8100] =	vst v63  }
0x435: {  	s2 =	sadd.s32 $0x1D00, s1;
	s23 =	sadd.s32 $0x1BD0, s0  }
0x436: {  	(v2sf) =	vpush v63, $0xE;
	[hbm4b:s23+s3] =	stream.linear.scatter [tilespmem:s2], [sflag:$0x3], $0x80, $0x38;
	[tilespmem:$0x8100] =	vst v63  }
0x437: {  	s2 =	sadd.s32 $0x2100, s1;
	s23 =	sadd.s32 $0x1C50, s0  }
0x438: {  	[hbm4b:s23+s3] =	stream.linear.scatter [tilespmem:s2], [sflag:$0x3], $0x80, $0x38;
	[tilespmem:$0x8100] =	vst v63  }
0x439: {  	s2 =	sadd.s32 $0x2500, s1;
	s23 =	sadd.s32 $0x1CD0, s0  }
0x43a: {  	[hbm4b:s23+s3] =	stream.linear.scatter [tilespmem:s2], [sflag:$0x3], $0x80, $0x38;
	[tilespmem:$0x8100] =	vst v63  }
0x43b: {  	s2 =	sadd.s32 $0x2900, s1;
	s23 =	sadd.s32 $0x1D50, s0  }
0x43c: {  	[hbm4b:s23+s3] =	stream.linear.scatter [tilespmem:s2], [sflag:$0x3], $0x80, $0x38;
	[tilespmem:$0x8100] =	vst v63  }
0x43d: {  	s2 =	sadd.s32 $0x2D00, s1;
	s23 =	sadd.s32 $0x1DD0, s0  }
0x43e: {  	[hbm4b:s23+s3] =	stream.linear.scatter [tilespmem:s2], [sflag:$0x3], $0x80, $0x38;
	[tilespmem:$0x8100] =	vst v63  }
0x43f: {  	s2 =	sadd.s32 $0x3100, s1;
	s23 =	sadd.s32 $0x1E50, s0  }
0x440: {  	[hbm4b:s23+s3] =	stream.linear.scatter [tilespmem:s2], [sflag:$0x3], $0x80, $0x38;
	[tilespmem:$0x8100] =	vst v63  }
0x441: {  	s2 =	sadd.s32 $0x3500, s1;
	s23 =	sadd.s32 $0x1ED0, s0  }
0x442: {  	[hbm4b:s23+s3] =	stream.linear.scatter [tilespmem:s2], [sflag:$0x3], $0x80, $0x38;
	[tilespmem:$0x8100] =	vst v63  }
0x443: {  	s2 =	sadd.s32 $0x3900, s1;
	s23 =	sadd.s32 $0x1F50, s0  }
0x444: {  	[hbm4b:s23+s3] =	stream.linear.scatter [tilespmem:s2], [sflag:$0x3], $0x80, $0x38;
	[tilespmem:$0x8100] =	vst v63  }
0x445: {  	s1 =	sadd.s32 $0x3D00, s1;
	s23 =	sadd.s32 $0x1FD0, s0;
	s2 =	spop (v2sf)  }
0x446: {  	[hbm4b:s23+s3] =	stream.linear.scatter [tilespmem:s1], [sflag:$0x3], $0x80, $0x38;
	[tilespmem:$0x8100] =	vst v63  }
0x447: {  	s23 =	sshll.u32 s2, $0xB;
	s1 =	sshll.u32 s2, $0x7  }
0x448: {  	s2 =	sand.u32 $0xFFFFC000, s23;
	s1 =	sand.u32 $0x380, s1  }
0x449: {  	s1 =	sor.u32 s1, s2  }
0x44a: {  	s23 =	sadd.s32 $0x1860, s0;
	s2 =	sadd.s32 $0x100, s1  }
0x44b: {  	[hbm4b:s23+s3] =	stream.linear.scatter [tilespmem:s2], [sflag:$0x3], $0x80, $0x38;
	[tilespmem:$0x8100] =	vst v63  }
0x44c: {  	s2 =	sadd.s32 $0x500, s1;
	s23 =	sadd.s32 $0x18E0, s0  }
0x44d: {  	[hbm4b:s23+s3] =	stream.linear.scatter [tilespmem:s2], [sflag:$0x3], $0x80, $0x38;
	[tilespmem:$0x8100] =	vst v63  }
0x44e: {  	s2 =	sadd.s32 $0x900, s1;
	s23 =	sadd.s32 $0x1960, s0  }
0x44f: {  	[hbm4b:s23+s3] =	stream.linear.scatter [tilespmem:s2], [sflag:$0x3], $0x80, $0x38;
	[tilespmem:$0x8100] =	vst v63  }
0x450: {  	s2 =	sadd.s32 $0xD00, s1;
	s23 =	sadd.s32 $0x19E0, s0  }
0x451: {  	[hbm4b:s23+s3] =	stream.linear.scatter [tilespmem:s2], [sflag:$0x3], $0x80, $0x38;
	[tilespmem:$0x8100] =	vst v63  }
0x452: {  	s2 =	sadd.s32 $0x1100, s1;
	s23 =	sadd.s32 $0x1A60, s0  }
0x453: {  	[hbm4b:s23+s3] =	stream.linear.scatter [tilespmem:s2], [sflag:$0x3], $0x80, $0x38;
	[tilespmem:$0x8100] =	vst v63  }
0x454: {  	s2 =	sadd.s32 $0x1500, s1;
	s23 =	sadd.s32 $0x1AE0, s0  }
0x455: {  	[hbm4b:s23+s3] =	stream.linear.scatter [tilespmem:s2], [sflag:$0x3], $0x80, $0x38;
	[tilespmem:$0x8100] =	vst v63  }
0x456: {  	s2 =	sadd.s32 $0x1900, s1;
	s23 =	sadd.s32 $0x1B60, s0  }
0x457: {  	[hbm4b:s23+s3] =	stream.linear.scatter [tilespmem:s2], [sflag:$0x3], $0x80, $0x38;
	[tilespmem:$0x8100] =	vst v63  }
0x458: {  	s2 =	sadd.s32 $0x1D00, s1;
	s23 =	sadd.s32 $0x1BE0, s0  }
0x459: {  	(v2sf) =	vpush v63, $0xF;
	[hbm4b:s23+s3] =	stream.linear.scatter [tilespmem:s2], [sflag:$0x3], $0x80, $0x38;
	[tilespmem:$0x8100] =	vst v63  }
0x45a: {  	s2 =	sadd.s32 $0x2100, s1;
	s23 =	sadd.s32 $0x1C60, s0  }
0x45b: {  	[hbm4b:s23+s3] =	stream.linear.scatter [tilespmem:s2], [sflag:$0x3], $0x80, $0x38;
	[tilespmem:$0x8100] =	vst v63  }
0x45c: {  	s2 =	sadd.s32 $0x2500, s1;
	s23 =	sadd.s32 $0x1CE0, s0  }
0x45d: {  	[hbm4b:s23+s3] =	stream.linear.scatter [tilespmem:s2], [sflag:$0x3], $0x80, $0x38;
	[tilespmem:$0x8100] =	vst v63  }
0x45e: {  	s2 =	sadd.s32 $0x2900, s1;
	s23 =	sadd.s32 $0x1D60, s0  }
0x45f: {  	[hbm4b:s23+s3] =	stream.linear.scatter [tilespmem:s2], [sflag:$0x3], $0x80, $0x38;
	[tilespmem:$0x8100] =	vst v63  }
0x460: {  	s2 =	sadd.s32 $0x2D00, s1;
	s23 =	sadd.s32 $0x1DE0, s0  }
0x461: {  	[hbm4b:s23+s3] =	stream.linear.scatter [tilespmem:s2], [sflag:$0x3], $0x80, $0x38;
	[tilespmem:$0x8100] =	vst v63  }
0x462: {  	s2 =	sadd.s32 $0x3100, s1;
	s23 =	sadd.s32 $0x1E60, s0  }
0x463: {  	[hbm4b:s23+s3] =	stream.linear.scatter [tilespmem:s2], [sflag:$0x3], $0x80, $0x38;
	[tilespmem:$0x8100] =	vst v63  }
0x464: {  	s2 =	sadd.s32 $0x3500, s1;
	s23 =	sadd.s32 $0x1EE0, s0  }
0x465: {  	[hbm4b:s23+s3] =	stream.linear.scatter [tilespmem:s2], [sflag:$0x3], $0x80, $0x38;
	[tilespmem:$0x8100] =	vst v63  }
0x466: {  	s2 =	sadd.s32 $0x3900, s1;
	s23 =	sadd.s32 $0x1F60, s0  }
0x467: {  	[hbm4b:s23+s3] =	stream.linear.scatter [tilespmem:s2], [sflag:$0x3], $0x80, $0x38;
	[tilespmem:$0x8100] =	vst v63  }
0x468: {  	s1 =	sadd.s32 $0x3D00, s1;
	s23 =	sadd.s32 $0x1FE0, s0;
	s2 =	spop (v2sf)  }
0x469: {  	[hbm4b:s23+s3] =	stream.linear.scatter [tilespmem:s1], [sflag:$0x3], $0x80, $0x38;
	[tilespmem:$0x8100] =	vst v63  }
0x46a: {  	s23 =	sshll.u32 s2, $0xB;
	s1 =	sshll.u32 s2, $0x7  }
0x46b: {  	s2 =	sand.u32 $0xFFFFC000, s23;
	s1 =	sand.u32 $0x380, s1  }
0x46c: {  	s1 =	sor.u32 s1, s2  }
0x46d: {  	s23 =	sadd.s32 $0x1870, s0;
	s2 =	sadd.s32 $0x100, s1  }
0x46e: {  	[hbm4b:s23+s3] =	stream.linear.scatter [tilespmem:s2], [sflag:$0x3], $0x80, $0x38;
	[tilespmem:$0x8100] =	vst v63  }
0x46f: {  	s2 =	sadd.s32 $0x500, s1;
	s23 =	sadd.s32 $0x18F0, s0  }
0x470: {  	[hbm4b:s23+s3] =	stream.linear.scatter [tilespmem:s2], [sflag:$0x3], $0x80, $0x38;
	[tilespmem:$0x8100] =	vst v63  }
0x471: {  	s2 =	sadd.s32 $0x900, s1;
	s23 =	sadd.s32 $0x1970, s0  }
0x472: {  	[hbm4b:s23+s3] =	stream.linear.scatter [tilespmem:s2], [sflag:$0x3], $0x80, $0x38;
	[tilespmem:$0x8100] =	vst v63  }
0x473: {  	s2 =	sadd.s32 $0xD00, s1;
	s23 =	sadd.s32 $0x19F0, s0  }
0x474: {  	[hbm4b:s23+s3] =	stream.linear.scatter [tilespmem:s2], [sflag:$0x3], $0x80, $0x38;
	[tilespmem:$0x8100] =	vst v63  }
0x475: {  	s2 =	sadd.s32 $0x1100, s1;
	s23 =	sadd.s32 $0x1A70, s0  }
0x476: {  	[hbm4b:s23+s3] =	stream.linear.scatter [tilespmem:s2], [sflag:$0x3], $0x80, $0x38;
	[tilespmem:$0x8100] =	vst v63  }
0x477: {  	s2 =	sadd.s32 $0x1500, s1;
	s23 =	sadd.s32 $0x1AF0, s0  }
0x478: {  	[hbm4b:s23+s3] =	stream.linear.scatter [tilespmem:s2], [sflag:$0x3], $0x80, $0x38;
	[tilespmem:$0x8100] =	vst v63  }
0x479: {  	s2 =	sadd.s32 $0x1900, s1;
	s23 =	sadd.s32 $0x1B70, s0  }
0x47a: {  	[hbm4b:s23+s3] =	stream.linear.scatter [tilespmem:s2], [sflag:$0x3], $0x80, $0x38;
	[tilespmem:$0x8100] =	vst v63  }
0x47b: {  	s2 =	sadd.s32 $0x1D00, s1;
	s23 =	sadd.s32 $0x1BF0, s0  }
0x47c: {  	[hbm4b:s23+s3] =	stream.linear.scatter [tilespmem:s2], [sflag:$0x3], $0x80, $0x38;
	[tilespmem:$0x8100] =	vst v63  }
0x47d: {  	s2 =	sadd.s32 $0x2100, s1;
	s23 =	sadd.s32 $0x1C70, s0  }
0x47e: {  	[hbm4b:s23+s3] =	stream.linear.scatter [tilespmem:s2], [sflag:$0x3], $0x80, $0x38;
	[tilespmem:$0x8100] =	vst v63  }
0x47f: {  	s2 =	sadd.s32 $0x2500, s1;
	s23 =	sadd.s32 $0x1CF0, s0  }
0x480: {  	[hbm4b:s23+s3] =	stream.linear.scatter [tilespmem:s2], [sflag:$0x3], $0x80, $0x38;
	[tilespmem:$0x8100] =	vst v63  }
0x481: {  	s2 =	sadd.s32 $0x2900, s1;
	s23 =	sadd.s32 $0x1D70, s0  }
0x482: {  	[hbm4b:s23+s3] =	stream.linear.scatter [tilespmem:s2], [sflag:$0x3], $0x80, $0x38;
	[tilespmem:$0x8100] =	vst v63  }
0x483: {  	s2 =	sadd.s32 $0x2D00, s1;
	s23 =	sadd.s32 $0x1DF0, s0  }
0x484: {  	[hbm4b:s23+s3] =	stream.linear.scatter [tilespmem:s2], [sflag:$0x3], $0x80, $0x38;
	[tilespmem:$0x8100] =	vst v63  }
0x485: {  	s2 =	sadd.s32 $0x3100, s1;
	s23 =	sadd.s32 $0x1E70, s0  }
0x486: {  	[hbm4b:s23+s3] =	stream.linear.scatter [tilespmem:s2], [sflag:$0x3], $0x80, $0x38;
	[tilespmem:$0x8100] =	vst v63  }
0x487: {  	p0 =	sne.s32 s31, $0xE000;
	s2 =	sadd.s32 $0x3500, s1;
	s23 =	sadd.s32 $0x1EF0, s0  }
0x488: {  	[hbm4b:s23+s3] =	stream.linear.scatter [tilespmem:s2], [sflag:$0x3], $0x80, $0x38;
	[tilespmem:$0x8100] =	vst v63  }
.Ltmp0:
0x489: {  	_ = 	snop;
	(pc) =	sbr.rel @p0 .LBB2_2-.Ltmp0, $4  }
0x48a: {  	s31 =	sadd.s32 $0x1000, s31;
	s2 =	sadd.s32 $0x3900, s1;
	s23 =	sadd.s32 $0x1F70, s0  }
0x48b: {  	[hbm4b:s23+s3] =	stream.linear.scatter [tilespmem:s2], [sflag:$0x3], $0x80, $0x38;
	[tilespmem:$0x8100] =	vst v63  }
0x48c: {  	s30 =	sadd.s32 $0x10, s30;
	s1 =	sadd.s32 $0x3D00, s1;
	s0 =	sadd.s32 $0x1FF0, s0  }
0x48d: {  	[hbm4b:s0+s3] =	stream.linear.scatter [tilespmem:s1], [sflag:$0x3], $0x80, $0x38;
	[tilespmem:$0x8100] =	vst v63  }
0x48e: {  	s29 =	sadd.s32 $0x1, s29  }
0x48f: {  	_ =	swait.ge [sflag:s26], $0x800;
	p0 =	sne.s32 s29, s21  }
.Ltmp1:
0x490: {  	[sflag:s26] =	ssyncset.done $0x0;
	(pc) =	sbr.rel @p0 .LBB2_1-.Ltmp1, $4  }
0x491: {  	[sflag:s26] =	ssyncadd.s32 $0xFFFFF800  }
0x492: {  	_ =	swait.ge [sflag:s28], $0x800  }
0x493: {  	[sflag:s28] =	ssyncset.done $0x0  }
0x494: {  	[sflag:s28] =	ssyncadd.s32 $0xFFFFF800  }
0x495: {  	_ =	sfence.sel $0x180000  }
0x496: {  	[bflag:$0x0] =	sbarrier.arrive $0xFFFF  }
0x497: {  	_ =	strace $0x90000047  }
0x498: {  	s0 =	stileid.u32;
	[bflag:$0x2] =	sbarrier.arrive $0xFFFF  }
0x499: {  	p0 =	sne.s32 s0, $0x0;
	s0 =	rddreg [dreg:$0x3]  }
0x49a: {  	s0 =	sadd.s32 @!p0 $0x100000, s0  }
0x49b: {  	[sflag:s0] =	ssyncadd.tile.s32 @!p0 $0x1;
	_ =	shalt  }
.Lfunc_end2:
_tile_overlayer_lowered:
.L_overlay_start_2:
0x49c: {  	(tag) =	ssettag $0x2  }
0x49d: {  	s0 =	rddreg [dreg:$0x0];
	s2 =	stileid.u32  }
0x49e: {  	s1 =	rddreg [dreg:$0x1];
	p0 =	sne.s32 s2, $0x0  }
0x49f: {  	s3 =	rddreg [dreg:$0x2];
	[bflag:$0x3] =	sbarrier.arrive $0xFFFF;
	s2 =	simm.s32 @!p0 $0x1C04  }
0x4a0: {  	[timem:s3], [sflag:s2] =	dma.local @!p0 [hbm:s0], s1  }
0x4a1: {  	s0 =	simm.s32 @!p0 $0x4  }
0x4a2: {  	_ =	swait.ge @!p0 [sflag:s0], s1  }
0x4a3: {  	s1 =	ssub.s32 @!p0 $0x0, s1;
	[sflag:s0] =	ssyncset.done @!p0 $0x0  }
0x4a4: {  	[sflag:s0] =	ssyncadd.s32 @!p0 s1  }
0x4a5: {  	[bflag:$0x3] =	sbarrier.arrive $0xFFFF  }
0x4a6: {  	_ =	shalt  }

</sc_bundles>
